<compile_context>
chip_gen: v7x
topology: tpu7x:2x2x1
jax: 0.10.2.dev20260603
libtpu: 0.0.44.dev20260713+nightly
codegen_flags: <defaults>
</compile_context>

<pallas_src>
import functools

import jax
import jax.numpy as jnp
from jax import lax
from jax.experimental import pallas as pl
from jax.experimental.pallas import tpu as pltpu
from jax.experimental.pallas import tpu_sc as plsc

N_MOLS = 2500

BLK_E = 3200
BLK_N = 5000
WIN_A = 256
WIN_M = 128


def _pad2(x, r, c):
  return jnp.pad(x, ((0, r - x.shape[0]), (0, c - x.shape[1])))


def _pad1(x, n):
  return jnp.pad(x, (0, n - x.shape[0]))




def _sc_gather(table, idx, C):
  E = idx.shape[0]
  row = table.shape[1:]
  mesh = plsc.VectorSubcoreMesh(core_axis_name="c", subcore_axis_name="s")
  nw = mesh.num_cores * mesh.num_subcores
  per = E // nw
  n = per // C
  assert per % C == 0 and C % 8 == 0 and n % 2 == 1 and n >= 5

  @functools.partial(
      pl.kernel,
      out_type=jax.ShapeDtypeStruct((E,) + row, table.dtype),
      mesh=mesh,
      scratch_types=[
          pltpu.VMEM((C,), jnp.int32),
          pltpu.VMEM((C,), jnp.int32),
          pltpu.VMEM((C,) + row, table.dtype),
          pltpu.VMEM((C,) + row, table.dtype),
          pltpu.SemaphoreType.DMA,
          pltpu.SemaphoreType.DMA,
          pltpu.SemaphoreType.DMA,
          pltpu.SemaphoreType.DMA,
      ],
  )
  def k(table_hbm, idx_hbm, out_hbm, idx0, idx1, rows0, rows1,
        sg0, sg1, sw0, sw1):
    wid = lax.axis_index("s") * mesh.num_cores + lax.axis_index("c")
    base = wid * per
    idx_v = (idx0, idx1)
    rows_v = (rows0, rows1)
    sg = (sg0, sg1)
    sw = (sw0, sw1)

    def wait_gather(b):
      pltpu.make_async_copy(table_hbm.at[idx_v[b]], rows_v[b], sg[b]).wait()

    def wait_writeout(b):
      pltpu.make_async_copy(
          rows_v[b], out_hbm.at[pl.ds(base, C)], sw[b]).wait()

    def start(i, b, first):
      if not first:
        wait_writeout(b)
      pltpu.sync_copy(idx_hbm.at[pl.ds(base + i * C, C)], idx_v[b])
      pltpu.async_copy(table_hbm.at[idx_v[b]], rows_v[b], sg[b])

    def drain(i, b):
      wait_gather(b)
      pltpu.async_copy(rows_v[b], out_hbm.at[pl.ds(base + i * C, C)], sw[b])

    start(0, 0, True)
    start(1, 1, True)
    drain(0, 0)
    start(2, 0, False)

    def pair(p, carry):
      i = 3 + 2 * p
      drain(i - 2, 1)
      start(i, 1, False)
      drain(i - 1, 0)
      start(i + 1, 0, False)
      return carry

    lax.fori_loop(0, (n - 3) // 2, pair, 0)
    drain(n - 2, 1)
    drain(n - 1, 0)
    wait_writeout(1)
    wait_writeout(0)

  return k(table, idx)




def _window_scatter(acc_ref, aw0, n_win, ids2, vals, win):

  rows = lax.broadcasted_iota(jnp.int32, (win, ids2.shape[1]), 0)

  def body(w, carry):
    aw = aw0 + w * win
    m = (rows == ids2 - aw).astype(vals.dtype)
    contrib = jnp.dot(m, vals, preferred_element_type=jnp.float32)
    acc_ref[pl.ds(aw, win), :] += contrib
    return carry

  lax.fori_loop(0, n_win, body, 0)


def _edge0_body(dist_ref, anj_ref, dmi_ref, aw_ref, nw_ref, emb_ref,
                wcf_ref, bcf_ref, wdf_ref, bdf_ref, wfc_ref, acc_ref,
                distb_ref):
  @pl.when(pl.program_id(0) == 0)
  def _init():
    acc_ref[...] = jnp.zeros_like(acc_ref)

  afh_t = (
      jnp.dot(emb_ref[...], wcf_ref[...], preferred_element_type=jnp.float32)
      + bcf_ref[...]
  )
  onehot_t = (
      lax.broadcasted_iota(jnp.int32, (32, BLK_E), 0) == anj_ref[0]
  ).astype(jnp.float32)
  gj = lax.dot_general(
      onehot_t, afh_t, (((0,), (0,)), ((), ())),
      preferred_element_type=jnp.float32,
  )
  dist_b = dist_ref[...].astype(jnp.bfloat16)
  distb_ref[...] = dist_b
  dh = (
      lax.dot_general(
          dist_b, wdf_ref[...], (((0,), (0,)), ((), ())),
          preferred_element_type=jnp.float32,
      )
      + bdf_ref[...]
  )
  m = (dh * gj).astype(jnp.bfloat16)
  out = jnp.tanh(
      jnp.dot(m, wfc_ref[...], preferred_element_type=jnp.float32)
  )
  i = pl.program_id(0)
  _window_scatter(acc_ref, aw_ref[i], nw_ref[i], dmi_ref[0],
                  out.astype(jnp.bfloat16), WIN_A)


def _edge1_body(off, dist_ref, gj_ref, dmi_ref, aw_ref, nw_ref, wdf_ref,
                bdf_ref, wfc_ref, acc_ref):
  @pl.when(pl.program_id(0) == 0)
  def _init():
    acc_ref[...] = jnp.zeros_like(acc_ref)

  dh = (
      lax.dot_general(
          dist_ref[...], wdf_ref[...], (((0,), (0,)), ((), ())),
          preferred_element_type=jnp.float32,
      )
      + bdf_ref[...]
  )
  gj = gj_ref[...][:, :64]
  m = (dh * gj).astype(jnp.bfloat16)
  out = jnp.tanh(
      jnp.dot(m, wfc_ref[...], preferred_element_type=jnp.float32)
  )
  i = pl.program_id(0) + off
  _window_scatter(acc_ref, aw_ref[i], nw_ref[i], dmi_ref[0],
                  out.astype(jnp.bfloat16), WIN_A)


def _mid_body(agg_ref, an_ref, emb_ref, wcf0_ref, bcf0_ref, bdf0_ref,
              wfc0_ref, wcf1_ref, bcf1_ref, bdf1_ref, wfc1_ref,
              afh1_ref, base1_ref):
  afh0_t = (
      jnp.dot(emb_ref[...], wcf0_ref[...], preferred_element_type=jnp.float32)
      + bcf0_ref[...]
  )
  out_ii0_t = jnp.tanh(
      jnp.dot(
          bdf0_ref[...] * afh0_t, wfc0_ref[...],
          preferred_element_type=jnp.float32,
      )
  )
  delta_t = emb_ref[...] - out_ii0_t
  onehot_t = (
      lax.broadcasted_iota(jnp.int32, (32, BLK_N), 0) == an_ref[0]
  ).astype(jnp.float32)
  af1 = agg_ref[...] + lax.dot_general(
      onehot_t, delta_t, (((0,), (0,)), ((), ())),
      preferred_element_type=jnp.float32,
  )
  afh1 = (
      jnp.dot(af1, wcf1_ref[...], preferred_element_type=jnp.float32)
      + bcf1_ref[...]
  )
  afh1_ref[...] = afh1
  out_ii1 = jnp.tanh(
      jnp.dot(
          bdf1_ref[...] * afh1, wfc1_ref[...],
          preferred_element_type=jnp.float32,
      )
  )
  base1_ref[...] = af1 - out_ii1


def _final_body(agg_ref, base_ref, am_ref, aw_ref, nw_ref, wg1_ref, bg1_ref,
                wgout_ref, bgout_ref, wlint_ref, blin_ref, acc_ref):
  @pl.when(pl.program_id(0) == 0)
  def _init():
    acc_ref[...] = jnp.zeros_like(acc_ref)

  af2 = agg_ref[...] + base_ref[...]
  g = jnp.tanh(
      jnp.dot(af2, wg1_ref[...], preferred_element_type=jnp.float32)
      + bg1_ref[...]
  )
  g2 = jnp.tanh(
      jnp.dot(g, wgout_ref[...], preferred_element_type=jnp.float32)
      + bgout_ref[...]
  )
  h = jnp.dot(g2, wlint_ref[...], preferred_element_type=jnp.float32)
  i = pl.program_id(0)
  _window_scatter(acc_ref, aw_ref[i], nw_ref[i], am_ref[0], h, WIN_M)

  @pl.when(pl.program_id(0) == pl.num_programs(0) - 1)
  def _bias():
    acc_ref[...] += blin_ref[...]


def _full_spec(shape):
  return pl.BlockSpec(shape, lambda i: tuple(0 for _ in shape))


def _edge_pass0(dist_t, anj3, dmi3, aw_e, nw_e, emb_p, wcf_p, bcf_p, wdf_p,
                bdf_p, wfc_p, n_atoms):
  n_dist, E = dist_t.shape
  nb = E // BLK_E
  acc_rows = n_atoms + WIN_A
  return pl.pallas_call(
      _edge0_body,
      grid=(nb,),
      in_specs=[
          pl.BlockSpec((n_dist, BLK_E), lambda i: (0, i)),
          pl.BlockSpec((1, 1, BLK_E), lambda i: (i, 0, 0)),
          pl.BlockSpec((1, 1, BLK_E), lambda i: (i, 0, 0)),
          pl.BlockSpec(memory_space=pltpu.SMEM),
          pl.BlockSpec(memory_space=pltpu.SMEM),
          _full_spec(emb_p.shape),
          _full_spec(wcf_p.shape),
          _full_spec(bcf_p.shape),
          _full_spec(wdf_p.shape),
          _full_spec(bdf_p.shape),
          _full_spec(wfc_p.shape),
      ],
      out_specs=[
          pl.BlockSpec((acc_rows, 32), lambda i: (0, 0)),
          pl.BlockSpec((n_dist, BLK_E), lambda i: (0, i)),
      ],
      out_shape=[
          jax.ShapeDtypeStruct((acc_rows, 32), jnp.float32),
          jax.ShapeDtypeStruct((n_dist, E), jnp.bfloat16),
      ],
  )(dist_t, anj3, dmi3, aw_e, nw_e, emb_p, wcf_p, bcf_p, wdf_p, bdf_p,
    wfc_p)


def _edge_pass1(dist_t, gj, dmi3, aw_e, nw_e, wdf_p, bdf_p, wfc_p,
                n_atoms, off):
  n_dist, _ = dist_t.shape
  nb = gj.shape[0] // BLK_E
  acc_rows = n_atoms + WIN_A
  return pl.pallas_call(
      functools.partial(_edge1_body, off),
      grid=(nb,),
      in_specs=[
          pl.BlockSpec((n_dist, BLK_E), lambda i: (0, i + off)),
          pl.BlockSpec((BLK_E, 128), lambda i: (i, 0)),
          pl.BlockSpec((1, 1, BLK_E), lambda i: (i + off, 0, 0)),
          pl.BlockSpec(memory_space=pltpu.SMEM),
          pl.BlockSpec(memory_space=pltpu.SMEM),
          _full_spec(wdf_p.shape),
          _full_spec(bdf_p.shape),
          _full_spec(wfc_p.shape),
      ],
      out_specs=pl.BlockSpec((acc_rows, 32), lambda i: (0, 0)),
      out_shape=jax.ShapeDtypeStruct((acc_rows, 32), jnp.float32),
  )(dist_t, gj, dmi3, aw_e, nw_e, wdf_p, bdf_p, wfc_p)


def _mid_pass(agg0, an3, emb_p, wcf0_p, bcf0_p, bdf0_p, wfc0_p, wcf1_p,
              bcf1_p, bdf1_p, wfc1_p):
  n = agg0.shape[0]
  nb = n // BLK_N
  return pl.pallas_call(
      _mid_body,
      grid=(nb,),
      in_specs=[
          pl.BlockSpec((BLK_N, 32), lambda i: (i, 0)),
          pl.BlockSpec((1, 1, BLK_N), lambda i: (i, 0, 0)),
          _full_spec(emb_p.shape),
          _full_spec(wcf0_p.shape),
          _full_spec(bcf0_p.shape),
          _full_spec(bdf0_p.shape),
          _full_spec(wfc0_p.shape),
          _full_spec(wcf1_p.shape),
          _full_spec(bcf1_p.shape),
          _full_spec(bdf1_p.shape),
          _full_spec(wfc1_p.shape),
      ],
      out_specs=[
          pl.BlockSpec((BLK_N, 128), lambda i: (i, 0)),
          pl.BlockSpec((BLK_N, 32), lambda i: (i, 0)),
      ],
      out_shape=[
          jax.ShapeDtypeStruct((n, 128), jnp.float32),
          jax.ShapeDtypeStruct((n, 32), jnp.float32),
      ],
  )(agg0, an3, emb_p, wcf0_p, bcf0_p, bdf0_p, wfc0_p, wcf1_p, bcf1_p,
    bdf1_p, wfc1_p)


def _final_pass(agg1, base1, am3, aw_m, nw_m, wg1_p, bg1_p, wgout_p,
                bgout_p, wlint_p, blin_p):
  n = agg1.shape[0]
  nb = n // BLK_N
  acc_rows = N_MOLS + WIN_M + 4
  return pl.pallas_call(
      _final_body,
      grid=(nb,),
      in_specs=[
          pl.BlockSpec((BLK_N, 32), lambda i: (i, 0)),
          pl.BlockSpec((BLK_N, 32), lambda i: (i, 0)),
          pl.BlockSpec((1, 1, BLK_N), lambda i: (i, 0, 0)),
          pl.BlockSpec(memory_space=pltpu.SMEM),
          pl.BlockSpec(memory_space=pltpu.SMEM),
          _full_spec(wg1_p.shape),
          _full_spec(bg1_p.shape),
          _full_spec(wgout_p.shape),
          _full_spec(bgout_p.shape),
          _full_spec(wlint_p.shape),
          _full_spec(blin_p.shape),
      ],
      out_specs=pl.BlockSpec((acc_rows, 16), lambda i: (0, 0)),
      out_shape=jax.ShapeDtypeStruct((acc_rows, 16), jnp.float32),
  )(agg1, base1, am3, aw_m, nw_m, wg1_p, bg1_p, wgout_p, bgout_p, wlint_p,
    blin_p)


def kernel(atom_number, distance, atom_membership, distance_membership_i,
           distance_membership_j, embedding,
           W_cf_0, b_cf_0, W_df_0, b_df_0, W_fc_0,
           W_cf_1, b_cf_1, W_df_1, b_df_1, W_fc_1,
           W_g1, b_g1, W_gout, b_gout, W_lin, b_lin):
  n = atom_number.shape[0]
  E, n_dist = distance.shape

  emb_p = _pad2(embedding, 32, 32)
  wcf0_p = _pad2(W_cf_0, 32, 64)
  bcf0_p = _pad1(b_cf_0, 64).reshape(1, 64)
  wdf0_p = _pad2(W_df_0, n_dist, 64)
  wdf0_b = wdf0_p.astype(jnp.bfloat16)
  bdf0_p = _pad1(b_df_0, 64).reshape(1, 64)
  wfc0_p = _pad2(W_fc_0, 64, 32)
  wfc0_b = wfc0_p.astype(jnp.bfloat16)
  wcf1_p = _pad2(W_cf_1, 32, 128)
  bcf1_p = _pad1(b_cf_1, 128).reshape(1, 128)
  wdf1_p = _pad2(W_df_1, n_dist, 64)
  wdf1_b = wdf1_p.astype(jnp.bfloat16)
  bdf1_p = _pad1(b_df_1, 64).reshape(1, 64)
  bdf1_p128 = _pad1(b_df_1, 128).reshape(1, 128)
  wfc1_p = _pad2(W_fc_1, 64, 32)
  wfc1_b = wfc1_p.astype(jnp.bfloat16)
  wfc1_p128 = _pad2(W_fc_1, 128, 32)
  wg1_p = _pad2(W_g1, 32, 128)
  bg1_p = _pad1(b_g1, 128).reshape(1, 128)
  wgout_p = _pad2(W_gout, 128, 16)
  bgout_p = _pad1(b_gout, 16).reshape(1, 16)
  wlint_p = _pad2(W_lin.T, 16, 16)
  blin_p = _pad1(b_lin, 16).reshape(1, 16)

  dmi3 = distance_membership_i.astype(jnp.int32).reshape(E // BLK_E, 1, BLK_E)
  aw_e = (jnp.min(dmi3[:, 0, :], axis=1) // 8) * 8
  nw_e = (jnp.max(dmi3[:, 0, :], axis=1) - aw_e) // WIN_A + 1
  an3 = atom_number.astype(jnp.int32).reshape(n // BLK_N, 1, BLK_N)
  am3 = atom_membership.astype(jnp.int32).reshape(n // BLK_N, 1, BLK_N)
  aw_m = (jnp.min(am3[:, 0, :], axis=1) // 8) * 8
  nw_m = (jnp.max(am3[:, 0, :], axis=1) - aw_m) // WIN_M + 1
  dmj = distance_membership_j.astype(jnp.int32)

  anj = _sc_gather(atom_number.astype(jnp.int32), dmj, 5000)
  anj3 = anj.reshape(E // BLK_E, 1, BLK_E)

  agg0, dist_b = _edge_pass0(distance.T, anj3, dmi3, aw_e, nw_e, emb_p,
                             wcf0_p, bcf0_p, wdf0_b, bdf0_p, wfc0_b, n)
  agg0 = agg0[:n]
  afh1, base1 = _mid_pass(agg0, an3, emb_p, wcf0_p, bcf0_p, bdf0_p, wfc0_p,
                          wcf1_p, bcf1_p, bdf1_p128, wfc1_p128)
  EA = 384000
  gj_a = _sc_gather(afh1, dmj[:EA], 160)
  gj_b = _sc_gather(afh1, dmj[EA:], 200)
  agg1_a = _edge_pass1(dist_b, gj_a, dmi3, aw_e, nw_e, wdf1_b, bdf1_p,
                       wfc1_b, n, 0)
  agg1_b = _edge_pass1(dist_b, gj_b, dmi3, aw_e, nw_e, wdf1_b, bdf1_p,
                       wfc1_b, n, EA // BLK_E)
  agg1 = (agg1_a + agg1_b)[:n]
  out = _final_pass(agg1, base1, am3, aw_m, nw_m, wg1_p, bg1_p, wgout_p,
                    bgout_p, wlint_p, blin_p)
  return out[:N_MOLS, :12]

# --- scband reference (transcript-rebuilt; emitter-appended) ---
"""Pipeline reference for scband-dtnn-5188320494126 (READ-ONLY COPY).

The authoritative reference and input builder live on the scoring server;
editing this copy changes nothing except your own understanding.
"""

import jax, jax.numpy as jnp
import numpy as np

N = 50000
E = 800000
PT_LEN = 30
N_EMBED = 30
N_HID = 60
N_DIST = 100
N_GH = 100
N_TASKS = 12
N_MOLS = 2500


def _xavier(k, shape):
    lim = float(np.sqrt(6.0 / (shape[0] + shape[1])))
    return jax.random.uniform(k, shape, jnp.float32, -lim, lim)


def setup_inputs(seed: int = 0) -> dict:
    key = jax.random.key(seed)
    ks = jax.random.split(key, 24)
    inp = {}
    inp['atom_number'] = jax.random.randint(ks[0], (N,), 0, PT_LEN)
    inp['distance'] = jax.random.uniform(ks[1], (E, N_DIST), dtype=jnp.float32)
    inp['atom_membership'] = jnp.sort(jax.random.randint(ks[2], (N,), 0, N_MOLS))
    inp['distance_membership_i'] = jnp.sort(jax.random.randint(ks[3], (E,), 0, N))
    inp['distance_membership_j'] = jax.random.randint(ks[4], (E,), 0, N)
    inp['embedding'] = jax.random.normal(ks[5], (PT_LEN, N_EMBED), jnp.float32) * 0.1
    i = 6
    for s in range(2):
        inp[f'W_cf_{s}'] = _xavier(ks[i], (N_EMBED, N_HID)); i += 1
        inp[f'b_cf_{s}'] = jnp.zeros((N_HID,), jnp.float32)
        inp[f'W_df_{s}'] = _xavier(ks[i], (N_DIST, N_HID)); i += 1
        inp[f'b_df_{s}'] = jnp.full((N_HID,), 0.1, jnp.float32)
        inp[f'W_fc_{s}'] = _xavier(ks[i], (N_HID, N_EMBED)); i += 1
    inp['W_g1'] = _xavier(ks[i], (N_EMBED, N_GH)); i += 1
    inp['b_g1'] = jnp.zeros((N_GH,), jnp.float32)
    inp['W_gout'] = _xavier(ks[i], (N_GH, N_TASKS)); i += 1
    inp['b_gout'] = jnp.zeros((N_TASKS,), jnp.float32)
    inp['W_lin'] = _xavier(ks[i], (N_TASKS, N_TASKS)); i += 1
    inp['b_lin'] = jnp.zeros((N_TASKS,), jnp.float32)
    return inp


def _dtnn_step(af, distance, dmi, dmj, W_cf, b_cf, W_df, b_df, W_fc):
    # distance_hidden: [E, n_hidden]; atom_features_hidden: [N, n_hidden]
    dh = distance @ W_df + b_df
    afh = af @ W_cf + b_cf
    # gather source-atom hidden features per pair, modulate by distance features
    outputs = dh * jnp.take(afh, dmj, axis=0)
    outputs = jnp.tanh(outputs @ W_fc)
    out_ii = jnp.tanh((b_df * afh) @ W_fc)
    # scatter-add pair messages back to destination atoms (segment sum)
    agg = jax.ops.segment_sum(outputs, dmi, num_segments=af.shape[0])
    return agg - out_ii + af


def reference(atom_number, distance, atom_membership, distance_membership_i,
              distance_membership_j, embedding,
              W_cf_0, b_cf_0, W_df_0, b_df_0, W_fc_0,
              W_cf_1, b_cf_1, W_df_1, b_df_1, W_fc_1,
              W_g1, b_g1, W_gout, b_gout, W_lin, b_lin):
    # DTNNEmbedding: table lookup
    af = jnp.take(embedding, atom_number, axis=0)
    # two DTNNStep layers (dropout p=0.0 -> identity)
    af = _dtnn_step(af, distance, distance_membership_i, distance_membership_j,
                    W_cf_0, b_cf_0, W_df_0, b_df_0, W_fc_0)
    af = _dtnn_step(af, distance, distance_membership_i, distance_membership_j,
                    W_cf_1, b_cf_1, W_df_1, b_df_1, W_fc_1)
    # DTNNGather: per-atom MLP then molecule-level segment sum
    g = jnp.tanh(af @ W_g1 + b_g1)
    g = jnp.tanh(g @ W_gout + b_gout)  # output_activation=True
    mol = jax.ops.segment_sum(g, atom_membership, num_segments=N_MOLS)
    # final LazyLinear(n_tasks)
    return mol @ W_lin.T + b_lin

if __name__ == "__main__":
    import jax
    _d = setup_inputs()
    print(jax.jit(kernel)(*tuple(_d.values())))

</pallas_src>

<mosaic_0001>
#map = affine_map<(d0, d1) -> (0, 0)>
#map1 = affine_map<(d0, d1) -> (0)>
module attributes {stable_mosaic.version = 14 : i64} {
  func.func @k(%arg0: i32, %arg1: i32, %arg2: memref<50000x128xf32, #tpu.memory_space<hbm>>, %arg3: memref<384000xi32, #tpu.memory_space<hbm>>, %arg4: memref<384000x128xf32, #tpu.memory_space<hbm>>, %arg5: memref<160xi32, #tpu.memory_space<vmem>>, %arg6: memref<160xi32, #tpu.memory_space<vmem>>, %arg7: memref<160x128xf32, #tpu.memory_space<vmem>>, %arg8: memref<160x128xf32, #tpu.memory_space<vmem>>, %arg9: memref<!tpu.dma_semaphore, #tpu.memory_space<semaphore_mem>>, %arg10: memref<!tpu.dma_semaphore, #tpu.memory_space<semaphore_mem>>, %arg11: memref<!tpu.dma_semaphore, #tpu.memory_space<semaphore_mem>>, %arg12: memref<!tpu.dma_semaphore, #tpu.memory_space<semaphore_mem>>) attributes {dimension_semantics = [#tpu.dimension_semantics<core_parallel>, #tpu.dimension_semantics<subcore_parallel>], iteration_bounds = array<i64: 2, 16>, scalar_prefetch = 0 : i64, scratch_operands = 8 : i64, tpu.core_type = #tpu.core_type<sc_vector_subcore>, window_params = [{transform_indices = #map}, {transform_indices = #map1}, {transform_indices = #map}]} {
    %mul3A = arith.constant 2 : i32
    %mul3A_0 = arith.muli %arg1, %mul3A : i32
    %add3A = arith.addi %mul3A_0, %arg0 : i32
    %mul3A_1 = arith.constant 12000 : i32
    %mul3A_2 = arith.muli %add3A, %mul3A_1 : i32
    %add3A_3 = arith.constant 0 : i32
    %add3A_4 = arith.addi %mul3A_2, %add3A_3 : i32
    "tpu.region"() ({
      %run_scoped3A = tpu.sem_alloc : memref<!tpu.dma_semaphore, #tpu.memory_space<semaphore_mem>>
      %dma_start3A_60 = tpu.memref_slice %arg3[%add3A_4] : memref<384000xi32, #tpu.memory_space<hbm>> -> memref<160xi32, #tpu.memory_space<hbm>>
      %dma_start3A_61 = tpu.memref_slice %arg3[%add3A_4] : memref<384000xi32, #tpu.memory_space<hbm>> -> memref<160xi32, #tpu.memory_space<hbm>>
      tpu.enqueue_dma source(%dma_start3A_61 : memref<160xi32, #tpu.memory_space<hbm>>) target(%arg5 : memref<160xi32, #tpu.memory_space<vmem>>) target_semaphore(%run_scoped3A : memref<!tpu.dma_semaphore, #tpu.memory_space<semaphore_mem>>)
      %dma_wait3A_62 = tpu.memref_slice %arg3[%add3A_4] : memref<384000xi32, #tpu.memory_space<hbm>> -> memref<160xi32, #tpu.memory_space<hbm>>
      %dma_wait3A_63 = tpu.memref_slice %arg3[%add3A_4] : memref<384000xi32, #tpu.memory_space<hbm>> -> memref<160xi32, #tpu.memory_space<hbm>>
      tpu.wait_dma2 semaphore(%run_scoped3A : memref<!tpu.dma_semaphore, #tpu.memory_space<semaphore_mem>>) src(%dma_wait3A_63 : memref<160xi32, #tpu.memory_space<hbm>>) dst(%arg5 : memref<160xi32, #tpu.memory_space<vmem>>)
      tpu.yield
    }) : () -> ()
    %dma_start3A = arith.constant 0 : i32
    %dma_start3A_5 = arith.constant 0 : i32
    %dma_start3A_6 = tpu.memref_slice %arg2[%dma_start3A, %dma_start3A_5] : memref<50000x128xf32, #tpu.memory_space<hbm>> -> memref<50000x128xf32, #tpu.memory_space<hbm>>
    tpu.enqueue_indirect_dma source(%dma_start3A_6 : memref<50000x128xf32, #tpu.memory_space<hbm>>) target(%arg7 : memref<160x128xf32, #tpu.memory_space<vmem>>) offsets(%arg5 : memref<160xi32, #tpu.memory_space<vmem>>) semaphore(%arg9 : memref<!tpu.dma_semaphore, #tpu.memory_space<semaphore_mem>>)
    %add3A_7 = arith.constant 160 : i32
    %add3A_8 = arith.addi %mul3A_2, %add3A_7 : i32
    "tpu.region"() ({
      %run_scoped3A = tpu.sem_alloc : memref<!tpu.dma_semaphore, #tpu.memory_space<semaphore_mem>>
      %dma_start3A_60 = tpu.memref_slice %arg3[%add3A_8] : memref<384000xi32, #tpu.memory_space<hbm>> -> memref<160xi32, #tpu.memory_space<hbm>>
      %dma_start3A_61 = tpu.memref_slice %arg3[%add3A_8] : memref<384000xi32, #tpu.memory_space<hbm>> -> memref<160xi32, #tpu.memory_space<hbm>>
      tpu.enqueue_dma source(%dma_start3A_61 : memref<160xi32, #tpu.memory_space<hbm>>) target(%arg6 : memref<160xi32, #tpu.memory_space<vmem>>) target_semaphore(%run_scoped3A : memref<!tpu.dma_semaphore, #tpu.memory_space<semaphore_mem>>)
      %dma_wait3A_62 = tpu.memref_slice %arg3[%add3A_8] : memref<384000xi32, #tpu.memory_space<hbm>> -> memref<160xi32, #tpu.memory_space<hbm>>
      %dma_wait3A_63 = tpu.memref_slice %arg3[%add3A_8] : memref<384000xi32, #tpu.memory_space<hbm>> -> memref<160xi32, #tpu.memory_space<hbm>>
      tpu.wait_dma2 semaphore(%run_scoped3A : memref<!tpu.dma_semaphore, #tpu.memory_space<semaphore_mem>>) src(%dma_wait3A_63 : memref<160xi32, #tpu.memory_space<hbm>>) dst(%arg6 : memref<160xi32, #tpu.memory_space<vmem>>)
      tpu.yield
    }) : () -> ()
    %dma_start3A_9 = arith.constant 0 : i32
    %dma_start3A_10 = arith.constant 0 : i32
    %dma_start3A_11 = tpu.memref_slice %arg2[%dma_start3A_9, %dma_start3A_10] : memref<50000x128xf32, #tpu.memory_space<hbm>> -> memref<50000x128xf32, #tpu.memory_space<hbm>>
    tpu.enqueue_indirect_dma source(%dma_start3A_11 : memref<50000x128xf32, #tpu.memory_space<hbm>>) target(%arg8 : memref<160x128xf32, #tpu.memory_space<vmem>>) offsets(%arg6 : memref<160xi32, #tpu.memory_space<vmem>>) semaphore(%arg10 : memref<!tpu.dma_semaphore, #tpu.memory_space<semaphore_mem>>)
    %dma_wait3A = arith.constant 0 : i32
    %dma_wait3A_12 = arith.constant 0 : i32
    %dma_wait3A_13 = tpu.memref_slice %arg2[%dma_wait3A, %dma_wait3A_12] : memref<50000x128xf32, #tpu.memory_space<hbm>> -> memref<50000x128xf32, #tpu.memory_space<hbm>>
    tpu.wait_indirect_dma semaphore(%arg9 : memref<!tpu.dma_semaphore, #tpu.memory_space<semaphore_mem>>) src(%dma_wait3A_13 : memref<50000x128xf32, #tpu.memory_space<hbm>>) dst(%arg7 : memref<160x128xf32, #tpu.memory_space<vmem>>)
    %add3A_14 = arith.constant 0 : i32
    %add3A_15 = arith.addi %mul3A_2, %add3A_14 : i32
    %dma_start3A_16 = arith.constant 0 : i32
    %dma_start3A_17 = tpu.memref_slice %arg4[%add3A_15, %dma_start3A_16] : memref<384000x128xf32, #tpu.memory_space<hbm>> -> memref<160x128xf32, #tpu.memory_space<hbm>>
    %dma_start3A_18 = arith.constant 0 : i32
    %dma_start3A_19 = tpu.memref_slice %arg4[%add3A_15, %dma_start3A_18] : memref<384000x128xf32, #tpu.memory_space<hbm>> -> memref<160x128xf32, #tpu.memory_space<hbm>>
    tpu.enqueue_dma source(%arg7 : memref<160x128xf32, #tpu.memory_space<vmem>>) target(%dma_start3A_19 : memref<160x128xf32, #tpu.memory_space<hbm>>) target_semaphore(%arg11 : memref<!tpu.dma_semaphore, #tpu.memory_space<semaphore_mem>>)
    %dma_wait3A_20 = arith.constant 0 : i32
    %dma_wait3A_21 = tpu.memref_slice %arg4[%mul3A_2, %dma_wait3A_20] : memref<384000x128xf32, #tpu.memory_space<hbm>> -> memref<160x128xf32, #tpu.memory_space<hbm>>
    %dma_wait3A_22 = arith.constant 0 : i32
    %dma_wait3A_23 = tpu.memref_slice %arg4[%mul3A_2, %dma_wait3A_22] : memref<384000x128xf32, #tpu.memory_space<hbm>> -> memref<160x128xf32, #tpu.memory_space<hbm>>
    tpu.wait_dma2 semaphore(%arg11 : memref<!tpu.dma_semaphore, #tpu.memory_space<semaphore_mem>>) src(%arg7 : memref<160x128xf32, #tpu.memory_space<vmem>>) dst(%dma_wait3A_23 : memref<160x128xf32, #tpu.memory_space<hbm>>)
    %add3A_24 = arith.constant 320 : i32
    %add3A_25 = arith.addi %mul3A_2, %add3A_24 : i32
    "tpu.region"() ({
      %run_scoped3A = tpu.sem_alloc : memref<!tpu.dma_semaphore, #tpu.memory_space<semaphore_mem>>
      %dma_start3A_60 = tpu.memref_slice %arg3[%add3A_25] : memref<384000xi32, #tpu.memory_space<hbm>> -> memref<160xi32, #tpu.memory_space<hbm>>
      %dma_start3A_61 = tpu.memref_slice %arg3[%add3A_25] : memref<384000xi32, #tpu.memory_space<hbm>> -> memref<160xi32, #tpu.memory_space<hbm>>
      tpu.enqueue_dma source(%dma_start3A_61 : memref<160xi32, #tpu.memory_space<hbm>>) target(%arg5 : memref<160xi32, #tpu.memory_space<vmem>>) target_semaphore(%run_scoped3A : memref<!tpu.dma_semaphore, #tpu.memory_space<semaphore_mem>>)
      %dma_wait3A_62 = tpu.memref_slice %arg3[%add3A_25] : memref<384000xi32, #tpu.memory_space<hbm>> -> memref<160xi32, #tpu.memory_space<hbm>>
      %dma_wait3A_63 = tpu.memref_slice %arg3[%add3A_25] : memref<384000xi32, #tpu.memory_space<hbm>> -> memref<160xi32, #tpu.memory_space<hbm>>
      tpu.wait_dma2 semaphore(%run_scoped3A : memref<!tpu.dma_semaphore, #tpu.memory_space<semaphore_mem>>) src(%dma_wait3A_63 : memref<160xi32, #tpu.memory_space<hbm>>) dst(%arg5 : memref<160xi32, #tpu.memory_space<vmem>>)
      tpu.yield
    }) : () -> ()
    %dma_start3A_26 = arith.constant 0 : i32
    %dma_start3A_27 = arith.constant 0 : i32
    %dma_start3A_28 = tpu.memref_slice %arg2[%dma_start3A_26, %dma_start3A_27] : memref<50000x128xf32, #tpu.memory_space<hbm>> -> memref<50000x128xf32, #tpu.memory_space<hbm>>
    tpu.enqueue_indirect_dma source(%dma_start3A_28 : memref<50000x128xf32, #tpu.memory_space<hbm>>) target(%arg7 : memref<160x128xf32, #tpu.memory_space<vmem>>) offsets(%arg5 : memref<160xi32, #tpu.memory_space<vmem>>) semaphore(%arg9 : memref<!tpu.dma_semaphore, #tpu.memory_space<semaphore_mem>>)
    %scan3A = arith.constant 0 : i32
    %scan3A_29 = arith.constant 0 : i32
    %scan3A_30 = arith.constant 36 : i32
    %scan3A_31 = arith.addi %scan3A_29, %scan3A_30 : i32
    %scan3A_32 = arith.constant 1 : i32
    scf.for %scan3A_60 = %scan3A_29 to %scan3A_31 step %scan3A_32  : i32 {
      %mul3A_61 = arith.constant 2 : i32
      %mul3A_62 = arith.muli %mul3A_61, %scan3A_60 : i32
      %add3A_63 = arith.constant 3 : i32
      %add3A_64 = arith.addi %add3A_63, %mul3A_62 : i32
      %sub3A = arith.constant 2 : i32
      %sub3A_65 = arith.subi %add3A_64, %sub3A : i32
      %dma_wait3A_66 = arith.constant 0 : i32
      %dma_wait3A_67 = arith.constant 0 : i32
      %dma_wait3A_68 = tpu.memref_slice %arg2[%dma_wait3A_66, %dma_wait3A_67] : memref<50000x128xf32, #tpu.memory_space<hbm>> -> memref<50000x128xf32, #tpu.memory_space<hbm>>
      tpu.wait_indirect_dma semaphore(%arg10 : memref<!tpu.dma_semaphore, #tpu.memory_space<semaphore_mem>>) src(%dma_wait3A_68 : memref<50000x128xf32, #tpu.memory_space<hbm>>) dst(%arg8 : memref<160x128xf32, #tpu.memory_space<vmem>>)
      %mul3A_69 = arith.constant 160 : i32
      %mul3A_70 = arith.muli %sub3A_65, %mul3A_69 : i32
      %add3A_71 = arith.addi %mul3A_2, %mul3A_70 : i32
      %dma_start3A_72 = arith.constant 0 : i32
      %dma_start3A_73 = tpu.memref_slice %arg4[%add3A_71, %dma_start3A_72] : memref<384000x128xf32, #tpu.memory_space<hbm>> -> memref<160x128xf32, #tpu.memory_space<hbm>>
      %dma_start3A_74 = arith.constant 0 : i32
      %dma_start3A_75 = tpu.memref_slice %arg4[%add3A_71, %dma_start3A_74] : memref<384000x128xf32, #tpu.memory_space<hbm>> -> memref<160x128xf32, #tpu.memory_space<hbm>>
      tpu.enqueue_dma source(%arg8 : memref<160x128xf32, #tpu.memory_space<vmem>>) target(%dma_start3A_75 : memref<160x128xf32, #tpu.memory_space<hbm>>) target_semaphore(%arg12 : memref<!tpu.dma_semaphore, #tpu.memory_space<semaphore_mem>>)
      %dma_wait3A_76 = arith.constant 0 : i32
      %dma_wait3A_77 = tpu.memref_slice %arg4[%mul3A_2, %dma_wait3A_76] : memref<384000x128xf32, #tpu.memory_space<hbm>> -> memref<160x128xf32, #tpu.memory_space<hbm>>
      %dma_wait3A_78 = arith.constant 0 : i32
      %dma_wait3A_79 = tpu.memref_slice %arg4[%mul3A_2, %dma_wait3A_78] : memref<384000x128xf32, #tpu.memory_space<hbm>> -> memref<160x128xf32, #tpu.memory_space<hbm>>
      tpu.wait_dma2 semaphore(%arg12 : memref<!tpu.dma_semaphore, #tpu.memory_space<semaphore_mem>>) src(%arg8 : memref<160x128xf32, #tpu.memory_space<vmem>>) dst(%dma_wait3A_79 : memref<160x128xf32, #tpu.memory_space<hbm>>)
      %mul3A_80 = arith.constant 160 : i32
      %mul3A_81 = arith.muli %add3A_64, %mul3A_80 : i32
      %add3A_82 = arith.addi %mul3A_2, %mul3A_81 : i32
      "tpu.region"() ({
        %run_scoped3A = tpu.sem_alloc : memref<!tpu.dma_semaphore, #tpu.memory_space<semaphore_mem>>
        %dma_start3A_110 = tpu.memref_slice %arg3[%add3A_82] : memref<384000xi32, #tpu.memory_space<hbm>> -> memref<160xi32, #tpu.memory_space<hbm>>
        %dma_start3A_111 = tpu.memref_slice %arg3[%add3A_82] : memref<384000xi32, #tpu.memory_space<hbm>> -> memref<160xi32, #tpu.memory_space<hbm>>
        tpu.enqueue_dma source(%dma_start3A_111 : memref<160xi32, #tpu.memory_space<hbm>>) target(%arg6 : memref<160xi32, #tpu.memory_space<vmem>>) target_semaphore(%run_scoped3A : memref<!tpu.dma_semaphore, #tpu.memory_space<semaphore_mem>>)
        %dma_wait3A_112 = tpu.memref_slice %arg3[%add3A_82] : memref<384000xi32, #tpu.memory_space<hbm>> -> memref<160xi32, #tpu.memory_space<hbm>>
        %dma_wait3A_113 = tpu.memref_slice %arg3[%add3A_82] : memref<384000xi32, #tpu.memory_space<hbm>> -> memref<160xi32, #tpu.memory_space<hbm>>
        tpu.wait_dma2 semaphore(%run_scoped3A : memref<!tpu.dma_semaphore, #tpu.memory_space<semaphore_mem>>) src(%dma_wait3A_113 : memref<160xi32, #tpu.memory_space<hbm>>) dst(%arg6 : memref<160xi32, #tpu.memory_space<vmem>>)
        tpu.yield
      }) : () -> ()
      %dma_start3A_83 = arith.constant 0 : i32
      %dma_start3A_84 = arith.constant 0 : i32
      %dma_start3A_85 = tpu.memref_slice %arg2[%dma_start3A_83, %dma_start3A_84] : memref<50000x128xf32, #tpu.memory_space<hbm>> -> memref<50000x128xf32, #tpu.memory_space<hbm>>
      tpu.enqueue_indirect_dma source(%dma_start3A_85 : memref<50000x128xf32, #tpu.memory_space<hbm>>) target(%arg8 : memref<160x128xf32, #tpu.memory_space<vmem>>) offsets(%arg6 : memref<160xi32, #tpu.memory_space<vmem>>) semaphore(%arg10 : memref<!tpu.dma_semaphore, #tpu.memory_space<semaphore_mem>>)
      %sub3A_86 = arith.constant 1 : i32
      %sub3A_87 = arith.subi %add3A_64, %sub3A_86 : i32
      %dma_wait3A_88 = arith.constant 0 : i32
      %dma_wait3A_89 = arith.constant 0 : i32
      %dma_wait3A_90 = tpu.memref_slice %arg2[%dma_wait3A_88, %dma_wait3A_89] : memref<50000x128xf32, #tpu.memory_space<hbm>> -> memref<50000x128xf32, #tpu.memory_space<hbm>>
      tpu.wait_indirect_dma semaphore(%arg9 : memref<!tpu.dma_semaphore, #tpu.memory_space<semaphore_mem>>) src(%dma_wait3A_90 : memref<50000x128xf32, #tpu.memory_space<hbm>>) dst(%arg7 : memref<160x128xf32, #tpu.memory_space<vmem>>)
      %mul3A_91 = arith.constant 160 : i32
      %mul3A_92 = arith.muli %sub3A_87, %mul3A_91 : i32
      %add3A_93 = arith.addi %mul3A_2, %mul3A_92 : i32
      %dma_start3A_94 = arith.constant 0 : i32
      %dma_start3A_95 = tpu.memref_slice %arg4[%add3A_93, %dma_start3A_94] : memref<384000x128xf32, #tpu.memory_space<hbm>> -> memref<160x128xf32, #tpu.memory_space<hbm>>
      %dma_start3A_96 = arith.constant 0 : i32
      %dma_start3A_97 = tpu.memref_slice %arg4[%add3A_93, %dma_start3A_96] : memref<384000x128xf32, #tpu.memory_space<hbm>> -> memref<160x128xf32, #tpu.memory_space<hbm>>
      tpu.enqueue_dma source(%arg7 : memref<160x128xf32, #tpu.memory_space<vmem>>) target(%dma_start3A_97 : memref<160x128xf32, #tpu.memory_space<hbm>>) target_semaphore(%arg11 : memref<!tpu.dma_semaphore, #tpu.memory_space<semaphore_mem>>)
      %add3A_98 = arith.constant 1 : i32
      %add3A_99 = arith.addi %add3A_64, %add3A_98 : i32
      %dma_wait3A_100 = arith.constant 0 : i32
      %dma_wait3A_101 = tpu.memref_slice %arg4[%mul3A_2, %dma_wait3A_100] : memref<384000x128xf32, #tpu.memory_space<hbm>> -> memref<160x128xf32, #tpu.memory_space<hbm>>
      %dma_wait3A_102 = arith.constant 0 : i32
      %dma_wait3A_103 = tpu.memref_slice %arg4[%mul3A_2, %dma_wait3A_102] : memref<384000x128xf32, #tpu.memory_space<hbm>> -> memref<160x128xf32, #tpu.memory_space<hbm>>
      tpu.wait_dma2 semaphore(%arg11 : memref<!tpu.dma_semaphore, #tpu.memory_space<semaphore_mem>>) src(%arg7 : memref<160x128xf32, #tpu.memory_space<vmem>>) dst(%dma_wait3A_103 : memref<160x128xf32, #tpu.memory_space<hbm>>)
      %mul3A_104 = arith.constant 160 : i32
      %mul3A_105 = arith.muli %add3A_99, %mul3A_104 : i32
      %add3A_106 = arith.addi %mul3A_2, %mul3A_105 : i32
      "tpu.region"() ({
        %run_scoped3A = tpu.sem_alloc : memref<!tpu.dma_semaphore, #tpu.memory_space<semaphore_mem>>
        %dma_start3A_110 = tpu.memref_slice %arg3[%add3A_106] : memref<384000xi32, #tpu.memory_space<hbm>> -> memref<160xi32, #tpu.memory_space<hbm>>
        %dma_start3A_111 = tpu.memref_slice %arg3[%add3A_106] : memref<384000xi32, #tpu.memory_space<hbm>> -> memref<160xi32, #tpu.memory_space<hbm>>
        tpu.enqueue_dma source(%dma_start3A_111 : memref<160xi32, #tpu.memory_space<hbm>>) target(%arg5 : memref<160xi32, #tpu.memory_space<vmem>>) target_semaphore(%run_scoped3A : memref<!tpu.dma_semaphore, #tpu.memory_space<semaphore_mem>>)
        %dma_wait3A_112 = tpu.memref_slice %arg3[%add3A_106] : memref<384000xi32, #tpu.memory_space<hbm>> -> memref<160xi32, #tpu.memory_space<hbm>>
        %dma_wait3A_113 = tpu.memref_slice %arg3[%add3A_106] : memref<384000xi32, #tpu.memory_space<hbm>> -> memref<160xi32, #tpu.memory_space<hbm>>
        tpu.wait_dma2 semaphore(%run_scoped3A : memref<!tpu.dma_semaphore, #tpu.memory_space<semaphore_mem>>) src(%dma_wait3A_113 : memref<160xi32, #tpu.memory_space<hbm>>) dst(%arg5 : memref<160xi32, #tpu.memory_space<vmem>>)
        tpu.yield
      }) : () -> ()
      %dma_start3A_107 = arith.constant 0 : i32
      %dma_start3A_108 = arith.constant 0 : i32
      %dma_start3A_109 = tpu.memref_slice %arg2[%dma_start3A_107, %dma_start3A_108] : memref<50000x128xf32, #tpu.memory_space<hbm>> -> memref<50000x128xf32, #tpu.memory_space<hbm>>
      tpu.enqueue_indirect_dma source(%dma_start3A_109 : memref<50000x128xf32, #tpu.memory_space<hbm>>) target(%arg7 : memref<160x128xf32, #tpu.memory_space<vmem>>) offsets(%arg5 : memref<160xi32, #tpu.memory_space<vmem>>) semaphore(%arg9 : memref<!tpu.dma_semaphore, #tpu.memory_space<semaphore_mem>>)
    }
    %scan3A_33 = arith.constant 36 : i32
    %dma_wait3A_34 = arith.constant 0 : i32
    %dma_wait3A_35 = arith.constant 0 : i32
    %dma_wait3A_36 = tpu.memref_slice %arg2[%dma_wait3A_34, %dma_wait3A_35] : memref<50000x128xf32, #tpu.memory_space<hbm>> -> memref<50000x128xf32, #tpu.memory_space<hbm>>
    tpu.wait_indirect_dma semaphore(%arg10 : memref<!tpu.dma_semaphore, #tpu.memory_space<semaphore_mem>>) src(%dma_wait3A_36 : memref<50000x128xf32, #tpu.memory_space<hbm>>) dst(%arg8 : memref<160x128xf32, #tpu.memory_space<vmem>>)
    %add3A_37 = arith.constant 11680 : i32
    %add3A_38 = arith.addi %mul3A_2, %add3A_37 : i32
    %dma_start3A_39 = arith.constant 0 : i32
    %dma_start3A_40 = tpu.memref_slice %arg4[%add3A_38, %dma_start3A_39] : memref<384000x128xf32, #tpu.memory_space<hbm>> -> memref<160x128xf32, #tpu.memory_space<hbm>>
    %dma_start3A_41 = arith.constant 0 : i32
    %dma_start3A_42 = tpu.memref_slice %arg4[%add3A_38, %dma_start3A_41] : memref<384000x128xf32, #tpu.memory_space<hbm>> -> memref<160x128xf32, #tpu.memory_space<hbm>>
    tpu.enqueue_dma source(%arg8 : memref<160x128xf32, #tpu.memory_space<vmem>>) target(%dma_start3A_42 : memref<160x128xf32, #tpu.memory_space<hbm>>) target_semaphore(%arg12 : memref<!tpu.dma_semaphore, #tpu.memory_space<semaphore_mem>>)
    %dma_wait3A_43 = arith.constant 0 : i32
    %dma_wait3A_44 = arith.constant 0 : i32
    %dma_wait3A_45 = tpu.memref_slice %arg2[%dma_wait3A_43, %dma_wait3A_44] : memref<50000x128xf32, #tpu.memory_space<hbm>> -> memref<50000x128xf32, #tpu.memory_space<hbm>>
    tpu.wait_indirect_dma semaphore(%arg9 : memref<!tpu.dma_semaphore, #tpu.memory_space<semaphore_mem>>) src(%dma_wait3A_45 : memref<50000x128xf32, #tpu.memory_space<hbm>>) dst(%arg7 : memref<160x128xf32, #tpu.memory_space<vmem>>)
    %add3A_46 = arith.constant 11840 : i32
    %add3A_47 = arith.addi %mul3A_2, %add3A_46 : i32
    %dma_start3A_48 = arith.constant 0 : i32
    %dma_start3A_49 = tpu.memref_slice %arg4[%add3A_47, %dma_start3A_48] : memref<384000x128xf32, #tpu.memory_space<hbm>> -> memref<160x128xf32, #tpu.memory_space<hbm>>
    %dma_start3A_50 = arith.constant 0 : i32
    %dma_start3A_51 = tpu.memref_slice %arg4[%add3A_47, %dma_start3A_50] : memref<384000x128xf32, #tpu.memory_space<hbm>> -> memref<160x128xf32, #tpu.memory_space<hbm>>
    tpu.enqueue_dma source(%arg7 : memref<160x128xf32, #tpu.memory_space<vmem>>) target(%dma_start3A_51 : memref<160x128xf32, #tpu.memory_space<hbm>>) target_semaphore(%arg11 : memref<!tpu.dma_semaphore, #tpu.memory_space<semaphore_mem>>)
    %dma_wait3A_52 = arith.constant 0 : i32
    %dma_wait3A_53 = tpu.memref_slice %arg4[%mul3A_2, %dma_wait3A_52] : memref<384000x128xf32, #tpu.memory_space<hbm>> -> memref<160x128xf32, #tpu.memory_space<hbm>>
    %dma_wait3A_54 = arith.constant 0 : i32
    %dma_wait3A_55 = tpu.memref_slice %arg4[%mul3A_2, %dma_wait3A_54] : memref<384000x128xf32, #tpu.memory_space<hbm>> -> memref<160x128xf32, #tpu.memory_space<hbm>>
    tpu.wait_dma2 semaphore(%arg12 : memref<!tpu.dma_semaphore, #tpu.memory_space<semaphore_mem>>) src(%arg8 : memref<160x128xf32, #tpu.memory_space<vmem>>) dst(%dma_wait3A_55 : memref<160x128xf32, #tpu.memory_space<hbm>>)
    %dma_wait3A_56 = arith.constant 0 : i32
    %dma_wait3A_57 = tpu.memref_slice %arg4[%mul3A_2, %dma_wait3A_56] : memref<384000x128xf32, #tpu.memory_space<hbm>> -> memref<160x128xf32, #tpu.memory_space<hbm>>
    %dma_wait3A_58 = arith.constant 0 : i32
    %dma_wait3A_59 = tpu.memref_slice %arg4[%mul3A_2, %dma_wait3A_58] : memref<384000x128xf32, #tpu.memory_space<hbm>> -> memref<160x128xf32, #tpu.memory_space<hbm>>
    tpu.wait_dma2 semaphore(%arg11 : memref<!tpu.dma_semaphore, #tpu.memory_space<semaphore_mem>>) src(%arg7 : memref<160x128xf32, #tpu.memory_space<vmem>>) dst(%dma_wait3A_59 : memref<160x128xf32, #tpu.memory_space<hbm>>)
    return
  }
}

#map = affine_map<(d0, d1) -> (0, 0)>
#map1 = affine_map<(d0, d1) -> (0)>
module attributes {stable_mosaic.version = 14 : i64} {
  func.func @k(%arg0: i32, %arg1: i32, %arg2: memref<50000x128xf32, #tpu.memory_space<hbm>>, %arg3: memref<416000xi32, #tpu.memory_space<hbm>>, %arg4: memref<416000x128xf32, #tpu.memory_space<hbm>>, %arg5: memref<200xi32, #tpu.memory_space<vmem>>, %arg6: memref<200xi32, #tpu.memory_space<vmem>>, %arg7: memref<200x128xf32, #tpu.memory_space<vmem>>, %arg8: memref<200x128xf32, #tpu.memory_space<vmem>>, %arg9: memref<!tpu.dma_semaphore, #tpu.memory_space<semaphore_mem>>, %arg10: memref<!tpu.dma_semaphore, #tpu.memory_space<semaphore_mem>>, %arg11: memref<!tpu.dma_semaphore, #tpu.memory_space<semaphore_mem>>, %arg12: memref<!tpu.dma_semaphore, #tpu.memory_space<semaphore_mem>>) attributes {dimension_semantics = [#tpu.dimension_semantics<core_parallel>, #tpu.dimension_semantics<subcore_parallel>], iteration_bounds = array<i64: 2, 16>, scalar_prefetch = 0 : i64, scratch_operands = 8 : i64, tpu.core_type = #tpu.core_type<sc_vector_subcore>, window_params = [{transform_indices = #map}, {transform_indices = #map1}, {transform_indices = #map}]} {
    %mul3A = arith.constant 2 : i32
    %mul3A_0 = arith.muli %arg1, %mul3A : i32
    %add3A = arith.addi %mul3A_0, %arg0 : i32
    %mul3A_1 = arith.constant 13000 : i32
    %mul3A_2 = arith.muli %add3A, %mul3A_1 : i32
    %add3A_3 = arith.constant 0 : i32
    %add3A_4 = arith.addi %mul3A_2, %add3A_3 : i32
    "tpu.region"() ({
      %run_scoped3A = tpu.sem_alloc : memref<!tpu.dma_semaphore, #tpu.memory_space<semaphore_mem>>
      %dma_start3A_60 = tpu.memref_slice %arg3[%add3A_4] : memref<416000xi32, #tpu.memory_space<hbm>> -> memref<200xi32, #tpu.memory_space<hbm>>
      %dma_start3A_61 = tpu.memref_slice %arg3[%add3A_4] : memref<416000xi32, #tpu.memory_space<hbm>> -> memref<200xi32, #tpu.memory_space<hbm>>
      tpu.enqueue_dma source(%dma_start3A_61 : memref<200xi32, #tpu.memory_space<hbm>>) target(%arg5 : memref<200xi32, #tpu.memory_space<vmem>>) target_semaphore(%run_scoped3A : memref<!tpu.dma_semaphore, #tpu.memory_space<semaphore_mem>>)
      %dma_wait3A_62 = tpu.memref_slice %arg3[%add3A_4] : memref<416000xi32, #tpu.memory_space<hbm>> -> memref<200xi32, #tpu.memory_space<hbm>>
      %dma_wait3A_63 = tpu.memref_slice %arg3[%add3A_4] : memref<416000xi32, #tpu.memory_space<hbm>> -> memref<200xi32, #tpu.memory_space<hbm>>
      tpu.wait_dma2 semaphore(%run_scoped3A : memref<!tpu.dma_semaphore, #tpu.memory_space<semaphore_mem>>) src(%dma_wait3A_63 : memref<200xi32, #tpu.memory_space<hbm>>) dst(%arg5 : memref<200xi32, #tpu.memory_space<vmem>>)
      tpu.yield
    }) : () -> ()
    %dma_start3A = arith.constant 0 : i32
    %dma_start3A_5 = arith.constant 0 : i32
    %dma_start3A_6 = tpu.memref_slice %arg2[%dma_start3A, %dma_start3A_5] : memref<50000x128xf32, #tpu.memory_space<hbm>> -> memref<50000x128xf32, #tpu.memory_space<hbm>>
    tpu.enqueue_indirect_dma source(%dma_start3A_6 : memref<50000x128xf32, #tpu.memory_space<hbm>>) target(%arg7 : memref<200x128xf32, #tpu.memory_space<vmem>>) offsets(%arg5 : memref<200xi32, #tpu.memory_space<vmem>>) semaphore(%arg9 : memref<!tpu.dma_semaphore, #tpu.memory_space<semaphore_mem>>)
    %add3A_7 = arith.constant 200 : i32
    %add3A_8 = arith.addi %mul3A_2, %add3A_7 : i32
    "tpu.region"() ({
      %run_scoped3A = tpu.sem_alloc : memref<!tpu.dma_semaphore, #tpu.memory_space<semaphore_mem>>
      %dma_start3A_60 = tpu.memref_slice %arg3[%add3A_8] : memref<416000xi32, #tpu.memory_space<hbm>> -> memref<200xi32, #tpu.memory_space<hbm>>
      %dma_start3A_61 = tpu.memref_slice %arg3[%add3A_8] : memref<416000xi32, #tpu.memory_space<hbm>> -> memref<200xi32, #tpu.memory_space<hbm>>
      tpu.enqueue_dma source(%dma_start3A_61 : memref<200xi32, #tpu.memory_space<hbm>>) target(%arg6 : memref<200xi32, #tpu.memory_space<vmem>>) target_semaphore(%run_scoped3A : memref<!tpu.dma_semaphore, #tpu.memory_space<semaphore_mem>>)
      %dma_wait3A_62 = tpu.memref_slice %arg3[%add3A_8] : memref<416000xi32, #tpu.memory_space<hbm>> -> memref<200xi32, #tpu.memory_space<hbm>>
      %dma_wait3A_63 = tpu.memref_slice %arg3[%add3A_8] : memref<416000xi32, #tpu.memory_space<hbm>> -> memref<200xi32, #tpu.memory_space<hbm>>
      tpu.wait_dma2 semaphore(%run_scoped3A : memref<!tpu.dma_semaphore, #tpu.memory_space<semaphore_mem>>) src(%dma_wait3A_63 : memref<200xi32, #tpu.memory_space<hbm>>) dst(%arg6 : memref<200xi32, #tpu.memory_space<vmem>>)
      tpu.yield
    }) : () -> ()
    %dma_start3A_9 = arith.constant 0 : i32
    %dma_start3A_10 = arith.constant 0 : i32
    %dma_start3A_11 = tpu.memref_slice %arg2[%dma_start3A_9, %dma_start3A_10] : memref<50000x128xf32, #tpu.memory_space<hbm>> -> memref<50000x128xf32, #tpu.memory_space<hbm>>
    tpu.enqueue_indirect_dma source(%dma_start3A_11 : memref<50000x128xf32, #tpu.memory_space<hbm>>) target(%arg8 : memref<200x128xf32, #tpu.memory_space<vmem>>) offsets(%arg6 : memref<200xi32, #tpu.memory_space<vmem>>) semaphore(%arg10 : memref<!tpu.dma_semaphore, #tpu.memory_space<semaphore_mem>>)
    %dma_wait3A = arith.constant 0 : i32
    %dma_wait3A_12 = arith.constant 0 : i32
    %dma_wait3A_13 = tpu.memref_slice %arg2[%dma_wait3A, %dma_wait3A_12] : memref<50000x128xf32, #tpu.memory_space<hbm>> -> memref<50000x128xf32, #tpu.memory_space<hbm>>
    tpu.wait_indirect_dma semaphore(%arg9 : memref<!tpu.dma_semaphore, #tpu.memory_space<semaphore_mem>>) src(%dma_wait3A_13 : memref<50000x128xf32, #tpu.memory_space<hbm>>) dst(%arg7 : memref<200x128xf32, #tpu.memory_space<vmem>>)
    %add3A_14 = arith.constant 0 : i32
    %add3A_15 = arith.addi %mul3A_2, %add3A_14 : i32
    %dma_start3A_16 = arith.constant 0 : i32
    %dma_start3A_17 = tpu.memref_slice %arg4[%add3A_15, %dma_start3A_16] : memref<416000x128xf32, #tpu.memory_space<hbm>> -> memref<200x128xf32, #tpu.memory_space<hbm>>
    %dma_start3A_18 = arith.constant 0 : i32
    %dma_start3A_19 = tpu.memref_slice %arg4[%add3A_15, %dma_start3A_18] : memref<416000x128xf32, #tpu.memory_space<hbm>> -> memref<200x128xf32, #tpu.memory_space<hbm>>
    tpu.enqueue_dma source(%arg7 : memref<200x128xf32, #tpu.memory_space<vmem>>) target(%dma_start3A_19 : memref<200x128xf32, #tpu.memory_space<hbm>>) target_semaphore(%arg11 : memref<!tpu.dma_semaphore, #tpu.memory_space<semaphore_mem>>)
    %dma_wait3A_20 = arith.constant 0 : i32
    %dma_wait3A_21 = tpu.memref_slice %arg4[%mul3A_2, %dma_wait3A_20] : memref<416000x128xf32, #tpu.memory_space<hbm>> -> memref<200x128xf32, #tpu.memory_space<hbm>>
    %dma_wait3A_22 = arith.constant 0 : i32
    %dma_wait3A_23 = tpu.memref_slice %arg4[%mul3A_2, %dma_wait3A_22] : memref<416000x128xf32, #tpu.memory_space<hbm>> -> memref<200x128xf32, #tpu.memory_space<hbm>>
    tpu.wait_dma2 semaphore(%arg11 : memref<!tpu.dma_semaphore, #tpu.memory_space<semaphore_mem>>) src(%arg7 : memref<200x128xf32, #tpu.memory_space<vmem>>) dst(%dma_wait3A_23 : memref<200x128xf32, #tpu.memory_space<hbm>>)
    %add3A_24 = arith.constant 400 : i32
    %add3A_25 = arith.addi %mul3A_2, %add3A_24 : i32
    "tpu.region"() ({
      %run_scoped3A = tpu.sem_alloc : memref<!tpu.dma_semaphore, #tpu.memory_space<semaphore_mem>>
      %dma_start3A_60 = tpu.memref_slice %arg3[%add3A_25] : memref<416000xi32, #tpu.memory_space<hbm>> -> memref<200xi32, #tpu.memory_space<hbm>>
      %dma_start3A_61 = tpu.memref_slice %arg3[%add3A_25] : memref<416000xi32, #tpu.memory_space<hbm>> -> memref<200xi32, #tpu.memory_space<hbm>>
      tpu.enqueue_dma source(%dma_start3A_61 : memref<200xi32, #tpu.memory_space<hbm>>) target(%arg5 : memref<200xi32, #tpu.memory_space<vmem>>) target_semaphore(%run_scoped3A : memref<!tpu.dma_semaphore, #tpu.memory_space<semaphore_mem>>)
      %dma_wait3A_62 = tpu.memref_slice %arg3[%add3A_25] : memref<416000xi32, #tpu.memory_space<hbm>> -> memref<200xi32, #tpu.memory_space<hbm>>
      %dma_wait3A_63 = tpu.memref_slice %arg3[%add3A_25] : memref<416000xi32, #tpu.memory_space<hbm>> -> memref<200xi32, #tpu.memory_space<hbm>>
      tpu.wait_dma2 semaphore(%run_scoped3A : memref<!tpu.dma_semaphore, #tpu.memory_space<semaphore_mem>>) src(%dma_wait3A_63 : memref<200xi32, #tpu.memory_space<hbm>>) dst(%arg5 : memref<200xi32, #tpu.memory_space<vmem>>)
      tpu.yield
    }) : () -> ()
    %dma_start3A_26 = arith.constant 0 : i32
    %dma_start3A_27 = arith.constant 0 : i32
    %dma_start3A_28 = tpu.memref_slice %arg2[%dma_start3A_26, %dma_start3A_27] : memref<50000x128xf32, #tpu.memory_space<hbm>> -> memref<50000x128xf32, #tpu.memory_space<hbm>>
    tpu.enqueue_indirect_dma source(%dma_start3A_28 : memref<50000x128xf32, #tpu.memory_space<hbm>>) target(%arg7 : memref<200x128xf32, #tpu.memory_space<vmem>>) offsets(%arg5 : memref<200xi32, #tpu.memory_space<vmem>>) semaphore(%arg9 : memref<!tpu.dma_semaphore, #tpu.memory_space<semaphore_mem>>)
    %scan3A = arith.constant 0 : i32
    %scan3A_29 = arith.constant 0 : i32
    %scan3A_30 = arith.constant 31 : i32
    %scan3A_31 = arith.addi %scan3A_29, %scan3A_30 : i32
    %scan3A_32 = arith.constant 1 : i32
    scf.for %scan3A_60 = %scan3A_29 to %scan3A_31 step %scan3A_32  : i32 {
      %mul3A_61 = arith.constant 2 : i32
      %mul3A_62 = arith.muli %mul3A_61, %scan3A_60 : i32
      %add3A_63 = arith.constant 3 : i32
      %add3A_64 = arith.addi %add3A_63, %mul3A_62 : i32
      %sub3A = arith.constant 2 : i32
      %sub3A_65 = arith.subi %add3A_64, %sub3A : i32
      %dma_wait3A_66 = arith.constant 0 : i32
      %dma_wait3A_67 = arith.constant 0 : i32
      %dma_wait3A_68 = tpu.memref_slice %arg2[%dma_wait3A_66, %dma_wait3A_67] : memref<50000x128xf32, #tpu.memory_space<hbm>> -> memref<50000x128xf32, #tpu.memory_space<hbm>>
      tpu.wait_indirect_dma semaphore(%arg10 : memref<!tpu.dma_semaphore, #tpu.memory_space<semaphore_mem>>) src(%dma_wait3A_68 : memref<50000x128xf32, #tpu.memory_space<hbm>>) dst(%arg8 : memref<200x128xf32, #tpu.memory_space<vmem>>)
      %mul3A_69 = arith.constant 200 : i32
      %mul3A_70 = arith.muli %sub3A_65, %mul3A_69 : i32
      %add3A_71 = arith.addi %mul3A_2, %mul3A_70 : i32
      %dma_start3A_72 = arith.constant 0 : i32
      %dma_start3A_73 = tpu.memref_slice %arg4[%add3A_71, %dma_start3A_72] : memref<416000x128xf32, #tpu.memory_space<hbm>> -> memref<200x128xf32, #tpu.memory_space<hbm>>
      %dma_start3A_74 = arith.constant 0 : i32
      %dma_start3A_75 = tpu.memref_slice %arg4[%add3A_71, %dma_start3A_74] : memref<416000x128xf32, #tpu.memory_space<hbm>> -> memref<200x128xf32, #tpu.memory_space<hbm>>
      tpu.enqueue_dma source(%arg8 : memref<200x128xf32, #tpu.memory_space<vmem>>) target(%dma_start3A_75 : memref<200x128xf32, #tpu.memory_space<hbm>>) target_semaphore(%arg12 : memref<!tpu.dma_semaphore, #tpu.memory_space<semaphore_mem>>)
      %dma_wait3A_76 = arith.constant 0 : i32
      %dma_wait3A_77 = tpu.memref_slice %arg4[%mul3A_2, %dma_wait3A_76] : memref<416000x128xf32, #tpu.memory_space<hbm>> -> memref<200x128xf32, #tpu.memory_space<hbm>>
      %dma_wait3A_78 = arith.constant 0 : i32
      %dma_wait3A_79 = tpu.memref_slice %arg4[%mul3A_2, %dma_wait3A_78] : memref<416000x128xf32, #tpu.memory_space<hbm>> -> memref<200x128xf32, #tpu.memory_space<hbm>>
      tpu.wait_dma2 semaphore(%arg12 : memref<!tpu.dma_semaphore, #tpu.memory_space<semaphore_mem>>) src(%arg8 : memref<200x128xf32, #tpu.memory_space<vmem>>) dst(%dma_wait3A_79 : memref<200x128xf32, #tpu.memory_space<hbm>>)
      %mul3A_80 = arith.constant 200 : i32
      %mul3A_81 = arith.muli %add3A_64, %mul3A_80 : i32
      %add3A_82 = arith.addi %mul3A_2, %mul3A_81 : i32
      "tpu.region"() ({
        %run_scoped3A = tpu.sem_alloc : memref<!tpu.dma_semaphore, #tpu.memory_space<semaphore_mem>>
        %dma_start3A_110 = tpu.memref_slice %arg3[%add3A_82] : memref<416000xi32, #tpu.memory_space<hbm>> -> memref<200xi32, #tpu.memory_space<hbm>>
        %dma_start3A_111 = tpu.memref_slice %arg3[%add3A_82] : memref<416000xi32, #tpu.memory_space<hbm>> -> memref<200xi32, #tpu.memory_space<hbm>>
        tpu.enqueue_dma source(%dma_start3A_111 : memref<200xi32, #tpu.memory_space<hbm>>) target(%arg6 : memref<200xi32, #tpu.memory_space<vmem>>) target_semaphore(%run_scoped3A : memref<!tpu.dma_semaphore, #tpu.memory_space<semaphore_mem>>)
        %dma_wait3A_112 = tpu.memref_slice %arg3[%add3A_82] : memref<416000xi32, #tpu.memory_space<hbm>> -> memref<200xi32, #tpu.memory_space<hbm>>
        %dma_wait3A_113 = tpu.memref_slice %arg3[%add3A_82] : memref<416000xi32, #tpu.memory_space<hbm>> -> memref<200xi32, #tpu.memory_space<hbm>>
        tpu.wait_dma2 semaphore(%run_scoped3A : memref<!tpu.dma_semaphore, #tpu.memory_space<semaphore_mem>>) src(%dma_wait3A_113 : memref<200xi32, #tpu.memory_space<hbm>>) dst(%arg6 : memref<200xi32, #tpu.memory_space<vmem>>)
        tpu.yield
      }) : () -> ()
      %dma_start3A_83 = arith.constant 0 : i32
      %dma_start3A_84 = arith.constant 0 : i32
      %dma_start3A_85 = tpu.memref_slice %arg2[%dma_start3A_83, %dma_start3A_84] : memref<50000x128xf32, #tpu.memory_space<hbm>> -> memref<50000x128xf32, #tpu.memory_space<hbm>>
      tpu.enqueue_indirect_dma source(%dma_start3A_85 : memref<50000x128xf32, #tpu.memory_space<hbm>>) target(%arg8 : memref<200x128xf32, #tpu.memory_space<vmem>>) offsets(%arg6 : memref<200xi32, #tpu.memory_space<vmem>>) semaphore(%arg10 : memref<!tpu.dma_semaphore, #tpu.memory_space<semaphore_mem>>)
      %sub3A_86 = arith.constant 1 : i32
      %sub3A_87 = arith.subi %add3A_64, %sub3A_86 : i32
      %dma_wait3A_88 = arith.constant 0 : i32
      %dma_wait3A_89 = arith.constant 0 : i32
      %dma_wait3A_90 = tpu.memref_slice %arg2[%dma_wait3A_88, %dma_wait3A_89] : memref<50000x128xf32, #tpu.memory_space<hbm>> -> memref<50000x128xf32, #tpu.memory_space<hbm>>
      tpu.wait_indirect_dma semaphore(%arg9 : memref<!tpu.dma_semaphore, #tpu.memory_space<semaphore_mem>>) src(%dma_wait3A_90 : memref<50000x128xf32, #tpu.memory_space<hbm>>) dst(%arg7 : memref<200x128xf32, #tpu.memory_space<vmem>>)
      %mul3A_91 = arith.constant 200 : i32
      %mul3A_92 = arith.muli %sub3A_87, %mul3A_91 : i32
      %add3A_93 = arith.addi %mul3A_2, %mul3A_92 : i32
      %dma_start3A_94 = arith.constant 0 : i32
      %dma_start3A_95 = tpu.memref_slice %arg4[%add3A_93, %dma_start3A_94] : memref<416000x128xf32, #tpu.memory_space<hbm>> -> memref<200x128xf32, #tpu.memory_space<hbm>>
      %dma_start3A_96 = arith.constant 0 : i32
      %dma_start3A_97 = tpu.memref_slice %arg4[%add3A_93, %dma_start3A_96] : memref<416000x128xf32, #tpu.memory_space<hbm>> -> memref<200x128xf32, #tpu.memory_space<hbm>>
      tpu.enqueue_dma source(%arg7 : memref<200x128xf32, #tpu.memory_space<vmem>>) target(%dma_start3A_97 : memref<200x128xf32, #tpu.memory_space<hbm>>) target_semaphore(%arg11 : memref<!tpu.dma_semaphore, #tpu.memory_space<semaphore_mem>>)
      %add3A_98 = arith.constant 1 : i32
      %add3A_99 = arith.addi %add3A_64, %add3A_98 : i32
      %dma_wait3A_100 = arith.constant 0 : i32
      %dma_wait3A_101 = tpu.memref_slice %arg4[%mul3A_2, %dma_wait3A_100] : memref<416000x128xf32, #tpu.memory_space<hbm>> -> memref<200x128xf32, #tpu.memory_space<hbm>>
      %dma_wait3A_102 = arith.constant 0 : i32
      %dma_wait3A_103 = tpu.memref_slice %arg4[%mul3A_2, %dma_wait3A_102] : memref<416000x128xf32, #tpu.memory_space<hbm>> -> memref<200x128xf32, #tpu.memory_space<hbm>>
      tpu.wait_dma2 semaphore(%arg11 : memref<!tpu.dma_semaphore, #tpu.memory_space<semaphore_mem>>) src(%arg7 : memref<200x128xf32, #tpu.memory_space<vmem>>) dst(%dma_wait3A_103 : memref<200x128xf32, #tpu.memory_space<hbm>>)
      %mul3A_104 = arith.constant 200 : i32
      %mul3A_105 = arith.muli %add3A_99, %mul3A_104 : i32
      %add3A_106 = arith.addi %mul3A_2, %mul3A_105 : i32
      "tpu.region"() ({
        %run_scoped3A = tpu.sem_alloc : memref<!tpu.dma_semaphore, #tpu.memory_space<semaphore_mem>>
        %dma_start3A_110 = tpu.memref_slice %arg3[%add3A_106] : memref<416000xi32, #tpu.memory_space<hbm>> -> memref<200xi32, #tpu.memory_space<hbm>>
        %dma_start3A_111 = tpu.memref_slice %arg3[%add3A_106] : memref<416000xi32, #tpu.memory_space<hbm>> -> memref<200xi32, #tpu.memory_space<hbm>>
        tpu.enqueue_dma source(%dma_start3A_111 : memref<200xi32, #tpu.memory_space<hbm>>) target(%arg5 : memref<200xi32, #tpu.memory_space<vmem>>) target_semaphore(%run_scoped3A : memref<!tpu.dma_semaphore, #tpu.memory_space<semaphore_mem>>)
        %dma_wait3A_112 = tpu.memref_slice %arg3[%add3A_106] : memref<416000xi32, #tpu.memory_space<hbm>> -> memref<200xi32, #tpu.memory_space<hbm>>
        %dma_wait3A_113 = tpu.memref_slice %arg3[%add3A_106] : memref<416000xi32, #tpu.memory_space<hbm>> -> memref<200xi32, #tpu.memory_space<hbm>>
        tpu.wait_dma2 semaphore(%run_scoped3A : memref<!tpu.dma_semaphore, #tpu.memory_space<semaphore_mem>>) src(%dma_wait3A_113 : memref<200xi32, #tpu.memory_space<hbm>>) dst(%arg5 : memref<200xi32, #tpu.memory_space<vmem>>)
        tpu.yield
      }) : () -> ()
      %dma_start3A_107 = arith.constant 0 : i32
      %dma_start3A_108 = arith.constant 0 : i32
      %dma_start3A_109 = tpu.memref_slice %arg2[%dma_start3A_107, %dma_start3A_108] : memref<50000x128xf32, #tpu.memory_space<hbm>> -> memref<50000x128xf32, #tpu.memory_space<hbm>>
      tpu.enqueue_indirect_dma source(%dma_start3A_109 : memref<50000x128xf32, #tpu.memory_space<hbm>>) target(%arg7 : memref<200x128xf32, #tpu.memory_space<vmem>>) offsets(%arg5 : memref<200xi32, #tpu.memory_space<vmem>>) semaphore(%arg9 : memref<!tpu.dma_semaphore, #tpu.memory_space<semaphore_mem>>)
    }
    %scan3A_33 = arith.constant 31 : i32
    %dma_wait3A_34 = arith.constant 0 : i32
    %dma_wait3A_35 = arith.constant 0 : i32
    %dma_wait3A_36 = tpu.memref_slice %arg2[%dma_wait3A_34, %dma_wait3A_35] : memref<50000x128xf32, #tpu.memory_space<hbm>> -> memref<50000x128xf32, #tpu.memory_space<hbm>>
    tpu.wait_indirect_dma semaphore(%arg10 : memref<!tpu.dma_semaphore, #tpu.memory_space<semaphore_mem>>) src(%dma_wait3A_36 : memref<50000x128xf32, #tpu.memory_space<hbm>>) dst(%arg8 : memref<200x128xf32, #tpu.memory_space<vmem>>)
    %add3A_37 = arith.constant 12600 : i32
    %add3A_38 = arith.addi %mul3A_2, %add3A_37 : i32
    %dma_start3A_39 = arith.constant 0 : i32
    %dma_start3A_40 = tpu.memref_slice %arg4[%add3A_38, %dma_start3A_39] : memref<416000x128xf32, #tpu.memory_space<hbm>> -> memref<200x128xf32, #tpu.memory_space<hbm>>
    %dma_start3A_41 = arith.constant 0 : i32
    %dma_start3A_42 = tpu.memref_slice %arg4[%add3A_38, %dma_start3A_41] : memref<416000x128xf32, #tpu.memory_space<hbm>> -> memref<200x128xf32, #tpu.memory_space<hbm>>
    tpu.enqueue_dma source(%arg8 : memref<200x128xf32, #tpu.memory_space<vmem>>) target(%dma_start3A_42 : memref<200x128xf32, #tpu.memory_space<hbm>>) target_semaphore(%arg12 : memref<!tpu.dma_semaphore, #tpu.memory_space<semaphore_mem>>)
    %dma_wait3A_43 = arith.constant 0 : i32
    %dma_wait3A_44 = arith.constant 0 : i32
    %dma_wait3A_45 = tpu.memref_slice %arg2[%dma_wait3A_43, %dma_wait3A_44] : memref<50000x128xf32, #tpu.memory_space<hbm>> -> memref<50000x128xf32, #tpu.memory_space<hbm>>
    tpu.wait_indirect_dma semaphore(%arg9 : memref<!tpu.dma_semaphore, #tpu.memory_space<semaphore_mem>>) src(%dma_wait3A_45 : memref<50000x128xf32, #tpu.memory_space<hbm>>) dst(%arg7 : memref<200x128xf32, #tpu.memory_space<vmem>>)
    %add3A_46 = arith.constant 12800 : i32
    %add3A_47 = arith.addi %mul3A_2, %add3A_46 : i32
    %dma_start3A_48 = arith.constant 0 : i32
    %dma_start3A_49 = tpu.memref_slice %arg4[%add3A_47, %dma_start3A_48] : memref<416000x128xf32, #tpu.memory_space<hbm>> -> memref<200x128xf32, #tpu.memory_space<hbm>>
    %dma_start3A_50 = arith.constant 0 : i32
    %dma_start3A_51 = tpu.memref_slice %arg4[%add3A_47, %dma_start3A_50] : memref<416000x128xf32, #tpu.memory_space<hbm>> -> memref<200x128xf32, #tpu.memory_space<hbm>>
    tpu.enqueue_dma source(%arg7 : memref<200x128xf32, #tpu.memory_space<vmem>>) target(%dma_start3A_51 : memref<200x128xf32, #tpu.memory_space<hbm>>) target_semaphore(%arg11 : memref<!tpu.dma_semaphore, #tpu.memory_space<semaphore_mem>>)
    %dma_wait3A_52 = arith.constant 0 : i32
    %dma_wait3A_53 = tpu.memref_slice %arg4[%mul3A_2, %dma_wait3A_52] : memref<416000x128xf32, #tpu.memory_space<hbm>> -> memref<200x128xf32, #tpu.memory_space<hbm>>
    %dma_wait3A_54 = arith.constant 0 : i32
    %dma_wait3A_55 = tpu.memref_slice %arg4[%mul3A_2, %dma_wait3A_54] : memref<416000x128xf32, #tpu.memory_space<hbm>> -> memref<200x128xf32, #tpu.memory_space<hbm>>
    tpu.wait_dma2 semaphore(%arg12 : memref<!tpu.dma_semaphore, #tpu.memory_space<semaphore_mem>>) src(%arg8 : memref<200x128xf32, #tpu.memory_space<vmem>>) dst(%dma_wait3A_55 : memref<200x128xf32, #tpu.memory_space<hbm>>)
    %dma_wait3A_56 = arith.constant 0 : i32
    %dma_wait3A_57 = tpu.memref_slice %arg4[%mul3A_2, %dma_wait3A_56] : memref<416000x128xf32, #tpu.memory_space<hbm>> -> memref<200x128xf32, #tpu.memory_space<hbm>>
    %dma_wait3A_58 = arith.constant 0 : i32
    %dma_wait3A_59 = tpu.memref_slice %arg4[%mul3A_2, %dma_wait3A_58] : memref<416000x128xf32, #tpu.memory_space<hbm>> -> memref<200x128xf32, #tpu.memory_space<hbm>>
    tpu.wait_dma2 semaphore(%arg11 : memref<!tpu.dma_semaphore, #tpu.memory_space<semaphore_mem>>) src(%arg7 : memref<200x128xf32, #tpu.memory_space<vmem>>) dst(%dma_wait3A_59 : memref<200x128xf32, #tpu.memory_space<hbm>>)
    return
  }
}

#map = affine_map<(d0, d1) -> (0)>
module attributes {stable_mosaic.version = 14 : i64} {
  func.func @k(%arg0: i32, %arg1: i32, %arg2: memref<50000xi32, #tpu.memory_space<hbm>>, %arg3: memref<800000xi32, #tpu.memory_space<hbm>>, %arg4: memref<800000xi32, #tpu.memory_space<hbm>>, %arg5: memref<5000xi32, #tpu.memory_space<vmem>>, %arg6: memref<5000xi32, #tpu.memory_space<vmem>>, %arg7: memref<5000xi32, #tpu.memory_space<vmem>>, %arg8: memref<5000xi32, #tpu.memory_space<vmem>>, %arg9: memref<!tpu.dma_semaphore, #tpu.memory_space<semaphore_mem>>, %arg10: memref<!tpu.dma_semaphore, #tpu.memory_space<semaphore_mem>>, %arg11: memref<!tpu.dma_semaphore, #tpu.memory_space<semaphore_mem>>, %arg12: memref<!tpu.dma_semaphore, #tpu.memory_space<semaphore_mem>>) attributes {dimension_semantics = [#tpu.dimension_semantics<core_parallel>, #tpu.dimension_semantics<subcore_parallel>], iteration_bounds = array<i64: 2, 16>, scalar_prefetch = 0 : i64, scratch_operands = 8 : i64, tpu.core_type = #tpu.core_type<sc_vector_subcore>, window_params = [{transform_indices = #map}, {transform_indices = #map}, {transform_indices = #map}]} {
    %mul3A = arith.constant 2 : i32
    %mul3A_0 = arith.muli %arg1, %mul3A : i32
    %add3A = arith.addi %mul3A_0, %arg0 : i32
    %mul3A_1 = arith.constant 25000 : i32
    %mul3A_2 = arith.muli %add3A, %mul3A_1 : i32
    %add3A_3 = arith.constant 0 : i32
    %add3A_4 = arith.addi %mul3A_2, %add3A_3 : i32
    "tpu.region"() ({
      %run_scoped3A = tpu.sem_alloc : memref<!tpu.dma_semaphore, #tpu.memory_space<semaphore_mem>>
      %dma_start3A_76 = tpu.memref_slice %arg3[%add3A_4] : memref<800000xi32, #tpu.memory_space<hbm>> -> memref<5000xi32, #tpu.memory_space<hbm>>
      %dma_start3A_77 = tpu.memref_slice %arg3[%add3A_4] : memref<800000xi32, #tpu.memory_space<hbm>> -> memref<5000xi32, #tpu.memory_space<hbm>>
      tpu.enqueue_dma source(%dma_start3A_77 : memref<5000xi32, #tpu.memory_space<hbm>>) target(%arg5 : memref<5000xi32, #tpu.memory_space<vmem>>) target_semaphore(%run_scoped3A : memref<!tpu.dma_semaphore, #tpu.memory_space<semaphore_mem>>)
      %dma_wait3A_78 = tpu.memref_slice %arg3[%add3A_4] : memref<800000xi32, #tpu.memory_space<hbm>> -> memref<5000xi32, #tpu.memory_space<hbm>>
      %dma_wait3A_79 = tpu.memref_slice %arg3[%add3A_4] : memref<800000xi32, #tpu.memory_space<hbm>> -> memref<5000xi32, #tpu.memory_space<hbm>>
      tpu.wait_dma2 semaphore(%run_scoped3A : memref<!tpu.dma_semaphore, #tpu.memory_space<semaphore_mem>>) src(%dma_wait3A_79 : memref<5000xi32, #tpu.memory_space<hbm>>) dst(%arg5 : memref<5000xi32, #tpu.memory_space<vmem>>)
      tpu.yield
    }) : () -> ()
    %dma_start3A = arith.constant 0 : i32
    %dma_start3A_5 = tpu.memref_slice %arg2[%dma_start3A] : memref<50000xi32, #tpu.memory_space<hbm>> -> memref<50000xi32, #tpu.memory_space<hbm>>
    tpu.enqueue_indirect_dma source(%dma_start3A_5 : memref<50000xi32, #tpu.memory_space<hbm>>) target(%arg7 : memref<5000xi32, #tpu.memory_space<vmem>>) offsets(%arg5 : memref<5000xi32, #tpu.memory_space<vmem>>) semaphore(%arg9 : memref<!tpu.dma_semaphore, #tpu.memory_space<semaphore_mem>>)
    %add3A_6 = arith.constant 5000 : i32
    %add3A_7 = arith.addi %mul3A_2, %add3A_6 : i32
    "tpu.region"() ({
      %run_scoped3A = tpu.sem_alloc : memref<!tpu.dma_semaphore, #tpu.memory_space<semaphore_mem>>
      %dma_start3A_76 = tpu.memref_slice %arg3[%add3A_7] : memref<800000xi32, #tpu.memory_space<hbm>> -> memref<5000xi32, #tpu.memory_space<hbm>>
      %dma_start3A_77 = tpu.memref_slice %arg3[%add3A_7] : memref<800000xi32, #tpu.memory_space<hbm>> -> memref<5000xi32, #tpu.memory_space<hbm>>
      tpu.enqueue_dma source(%dma_start3A_77 : memref<5000xi32, #tpu.memory_space<hbm>>) target(%arg6 : memref<5000xi32, #tpu.memory_space<vmem>>) target_semaphore(%run_scoped3A : memref<!tpu.dma_semaphore, #tpu.memory_space<semaphore_mem>>)
      %dma_wait3A_78 = tpu.memref_slice %arg3[%add3A_7] : memref<800000xi32, #tpu.memory_space<hbm>> -> memref<5000xi32, #tpu.memory_space<hbm>>
      %dma_wait3A_79 = tpu.memref_slice %arg3[%add3A_7] : memref<800000xi32, #tpu.memory_space<hbm>> -> memref<5000xi32, #tpu.memory_space<hbm>>
      tpu.wait_dma2 semaphore(%run_scoped3A : memref<!tpu.dma_semaphore, #tpu.memory_space<semaphore_mem>>) src(%dma_wait3A_79 : memref<5000xi32, #tpu.memory_space<hbm>>) dst(%arg6 : memref<5000xi32, #tpu.memory_space<vmem>>)
      tpu.yield
    }) : () -> ()
    %dma_start3A_8 = arith.constant 0 : i32
    %dma_start3A_9 = tpu.memref_slice %arg2[%dma_start3A_8] : memref<50000xi32, #tpu.memory_space<hbm>> -> memref<50000xi32, #tpu.memory_space<hbm>>
    tpu.enqueue_indirect_dma source(%dma_start3A_9 : memref<50000xi32, #tpu.memory_space<hbm>>) target(%arg8 : memref<5000xi32, #tpu.memory_space<vmem>>) offsets(%arg6 : memref<5000xi32, #tpu.memory_space<vmem>>) semaphore(%arg10 : memref<!tpu.dma_semaphore, #tpu.memory_space<semaphore_mem>>)
    %dma_wait3A = arith.constant 0 : i32
    %dma_wait3A_10 = tpu.memref_slice %arg2[%dma_wait3A] : memref<50000xi32, #tpu.memory_space<hbm>> -> memref<50000xi32, #tpu.memory_space<hbm>>
    tpu.wait_indirect_dma semaphore(%arg9 : memref<!tpu.dma_semaphore, #tpu.memory_space<semaphore_mem>>) src(%dma_wait3A_10 : memref<50000xi32, #tpu.memory_space<hbm>>) dst(%arg7 : memref<5000xi32, #tpu.memory_space<vmem>>)
    %add3A_11 = arith.constant 0 : i32
    %add3A_12 = arith.addi %mul3A_2, %add3A_11 : i32
    %dma_start3A_13 = tpu.memref_slice %arg4[%add3A_12] : memref<800000xi32, #tpu.memory_space<hbm>> -> memref<5000xi32, #tpu.memory_space<hbm>>
    %dma_start3A_14 = tpu.memref_slice %arg4[%add3A_12] : memref<800000xi32, #tpu.memory_space<hbm>> -> memref<5000xi32, #tpu.memory_space<hbm>>
    tpu.enqueue_dma source(%arg7 : memref<5000xi32, #tpu.memory_space<vmem>>) target(%dma_start3A_14 : memref<5000xi32, #tpu.memory_space<hbm>>) target_semaphore(%arg11 : memref<!tpu.dma_semaphore, #tpu.memory_space<semaphore_mem>>)
    %dma_wait3A_15 = tpu.memref_slice %arg4[%mul3A_2] : memref<800000xi32, #tpu.memory_space<hbm>> -> memref<5000xi32, #tpu.memory_space<hbm>>
    %dma_wait3A_16 = tpu.memref_slice %arg4[%mul3A_2] : memref<800000xi32, #tpu.memory_space<hbm>> -> memref<5000xi32, #tpu.memory_space<hbm>>
    tpu.wait_dma2 semaphore(%arg11 : memref<!tpu.dma_semaphore, #tpu.memory_space<semaphore_mem>>) src(%arg7 : memref<5000xi32, #tpu.memory_space<vmem>>) dst(%dma_wait3A_16 : memref<5000xi32, #tpu.memory_space<hbm>>)
    %add3A_17 = arith.constant 10000 : i32
    %add3A_18 = arith.addi %mul3A_2, %add3A_17 : i32
    "tpu.region"() ({
      %run_scoped3A = tpu.sem_alloc : memref<!tpu.dma_semaphore, #tpu.memory_space<semaphore_mem>>
      %dma_start3A_76 = tpu.memref_slice %arg3[%add3A_18] : memref<800000xi32, #tpu.memory_space<hbm>> -> memref<5000xi32, #tpu.memory_space<hbm>>
      %dma_start3A_77 = tpu.memref_slice %arg3[%add3A_18] : memref<800000xi32, #tpu.memory_space<hbm>> -> memref<5000xi32, #tpu.memory_space<hbm>>
      tpu.enqueue_dma source(%dma_start3A_77 : memref<5000xi32, #tpu.memory_space<hbm>>) target(%arg5 : memref<5000xi32, #tpu.memory_space<vmem>>) target_semaphore(%run_scoped3A : memref<!tpu.dma_semaphore, #tpu.memory_space<semaphore_mem>>)
      %dma_wait3A_78 = tpu.memref_slice %arg3[%add3A_18] : memref<800000xi32, #tpu.memory_space<hbm>> -> memref<5000xi32, #tpu.memory_space<hbm>>
      %dma_wait3A_79 = tpu.memref_slice %arg3[%add3A_18] : memref<800000xi32, #tpu.memory_space<hbm>> -> memref<5000xi32, #tpu.memory_space<hbm>>
      tpu.wait_dma2 semaphore(%run_scoped3A : memref<!tpu.dma_semaphore, #tpu.memory_space<semaphore_mem>>) src(%dma_wait3A_79 : memref<5000xi32, #tpu.memory_space<hbm>>) dst(%arg5 : memref<5000xi32, #tpu.memory_space<vmem>>)
      tpu.yield
    }) : () -> ()
    %dma_start3A_19 = arith.constant 0 : i32
    %dma_start3A_20 = tpu.memref_slice %arg2[%dma_start3A_19] : memref<50000xi32, #tpu.memory_space<hbm>> -> memref<50000xi32, #tpu.memory_space<hbm>>
    tpu.enqueue_indirect_dma source(%dma_start3A_20 : memref<50000xi32, #tpu.memory_space<hbm>>) target(%arg7 : memref<5000xi32, #tpu.memory_space<vmem>>) offsets(%arg5 : memref<5000xi32, #tpu.memory_space<vmem>>) semaphore(%arg9 : memref<!tpu.dma_semaphore, #tpu.memory_space<semaphore_mem>>)
    %scan3A = arith.constant 0 : i32
    %scan3A_21 = arith.constant 0 : i32
    %mul3A_22 = arith.constant 2 : i32
    %mul3A_23 = arith.muli %mul3A_22, %scan3A_21 : i32
    %add3A_24 = arith.constant 3 : i32
    %add3A_25 = arith.addi %add3A_24, %mul3A_23 : i32
    %sub3A = arith.constant 2 : i32
    %sub3A_26 = arith.subi %add3A_25, %sub3A : i32
    %dma_wait3A_27 = arith.constant 0 : i32
    %dma_wait3A_28 = tpu.memref_slice %arg2[%dma_wait3A_27] : memref<50000xi32, #tpu.memory_space<hbm>> -> memref<50000xi32, #tpu.memory_space<hbm>>
    tpu.wait_indirect_dma semaphore(%arg10 : memref<!tpu.dma_semaphore, #tpu.memory_space<semaphore_mem>>) src(%dma_wait3A_28 : memref<50000xi32, #tpu.memory_space<hbm>>) dst(%arg8 : memref<5000xi32, #tpu.memory_space<vmem>>)
    %mul3A_29 = arith.constant 5000 : i32
    %mul3A_30 = arith.muli %sub3A_26, %mul3A_29 : i32
    %add3A_31 = arith.addi %mul3A_2, %mul3A_30 : i32
    %dma_start3A_32 = tpu.memref_slice %arg4[%add3A_31] : memref<800000xi32, #tpu.memory_space<hbm>> -> memref<5000xi32, #tpu.memory_space<hbm>>
    %dma_start3A_33 = tpu.memref_slice %arg4[%add3A_31] : memref<800000xi32, #tpu.memory_space<hbm>> -> memref<5000xi32, #tpu.memory_space<hbm>>
    tpu.enqueue_dma source(%arg8 : memref<5000xi32, #tpu.memory_space<vmem>>) target(%dma_start3A_33 : memref<5000xi32, #tpu.memory_space<hbm>>) target_semaphore(%arg12 : memref<!tpu.dma_semaphore, #tpu.memory_space<semaphore_mem>>)
    %dma_wait3A_34 = tpu.memref_slice %arg4[%mul3A_2] : memref<800000xi32, #tpu.memory_space<hbm>> -> memref<5000xi32, #tpu.memory_space<hbm>>
    %dma_wait3A_35 = tpu.memref_slice %arg4[%mul3A_2] : memref<800000xi32, #tpu.memory_space<hbm>> -> memref<5000xi32, #tpu.memory_space<hbm>>
    tpu.wait_dma2 semaphore(%arg12 : memref<!tpu.dma_semaphore, #tpu.memory_space<semaphore_mem>>) src(%arg8 : memref<5000xi32, #tpu.memory_space<vmem>>) dst(%dma_wait3A_35 : memref<5000xi32, #tpu.memory_space<hbm>>)
    %mul3A_36 = arith.constant 5000 : i32
    %mul3A_37 = arith.muli %add3A_25, %mul3A_36 : i32
    %add3A_38 = arith.addi %mul3A_2, %mul3A_37 : i32
    "tpu.region"() ({
      %run_scoped3A = tpu.sem_alloc : memref<!tpu.dma_semaphore, #tpu.memory_space<semaphore_mem>>
      %dma_start3A_76 = tpu.memref_slice %arg3[%add3A_38] : memref<800000xi32, #tpu.memory_space<hbm>> -> memref<5000xi32, #tpu.memory_space<hbm>>
      %dma_start3A_77 = tpu.memref_slice %arg3[%add3A_38] : memref<800000xi32, #tpu.memory_space<hbm>> -> memref<5000xi32, #tpu.memory_space<hbm>>
      tpu.enqueue_dma source(%dma_start3A_77 : memref<5000xi32, #tpu.memory_space<hbm>>) target(%arg6 : memref<5000xi32, #tpu.memory_space<vmem>>) target_semaphore(%run_scoped3A : memref<!tpu.dma_semaphore, #tpu.memory_space<semaphore_mem>>)
      %dma_wait3A_78 = tpu.memref_slice %arg3[%add3A_38] : memref<800000xi32, #tpu.memory_space<hbm>> -> memref<5000xi32, #tpu.memory_space<hbm>>
      %dma_wait3A_79 = tpu.memref_slice %arg3[%add3A_38] : memref<800000xi32, #tpu.memory_space<hbm>> -> memref<5000xi32, #tpu.memory_space<hbm>>
      tpu.wait_dma2 semaphore(%run_scoped3A : memref<!tpu.dma_semaphore, #tpu.memory_space<semaphore_mem>>) src(%dma_wait3A_79 : memref<5000xi32, #tpu.memory_space<hbm>>) dst(%arg6 : memref<5000xi32, #tpu.memory_space<vmem>>)
      tpu.yield
    }) : () -> ()
    %dma_start3A_39 = arith.constant 0 : i32
    %dma_start3A_40 = tpu.memref_slice %arg2[%dma_start3A_39] : memref<50000xi32, #tpu.memory_space<hbm>> -> memref<50000xi32, #tpu.memory_space<hbm>>
    tpu.enqueue_indirect_dma source(%dma_start3A_40 : memref<50000xi32, #tpu.memory_space<hbm>>) target(%arg8 : memref<5000xi32, #tpu.memory_space<vmem>>) offsets(%arg6 : memref<5000xi32, #tpu.memory_space<vmem>>) semaphore(%arg10 : memref<!tpu.dma_semaphore, #tpu.memory_space<semaphore_mem>>)
    %sub3A_41 = arith.constant 1 : i32
    %sub3A_42 = arith.subi %add3A_25, %sub3A_41 : i32
    %dma_wait3A_43 = arith.constant 0 : i32
    %dma_wait3A_44 = tpu.memref_slice %arg2[%dma_wait3A_43] : memref<50000xi32, #tpu.memory_space<hbm>> -> memref<50000xi32, #tpu.memory_space<hbm>>
    tpu.wait_indirect_dma semaphore(%arg9 : memref<!tpu.dma_semaphore, #tpu.memory_space<semaphore_mem>>) src(%dma_wait3A_44 : memref<50000xi32, #tpu.memory_space<hbm>>) dst(%arg7 : memref<5000xi32, #tpu.memory_space<vmem>>)
    %mul3A_45 = arith.constant 5000 : i32
    %mul3A_46 = arith.muli %sub3A_42, %mul3A_45 : i32
    %add3A_47 = arith.addi %mul3A_2, %mul3A_46 : i32
    %dma_start3A_48 = tpu.memref_slice %arg4[%add3A_47] : memref<800000xi32, #tpu.memory_space<hbm>> -> memref<5000xi32, #tpu.memory_space<hbm>>
    %dma_start3A_49 = tpu.memref_slice %arg4[%add3A_47] : memref<800000xi32, #tpu.memory_space<hbm>> -> memref<5000xi32, #tpu.memory_space<hbm>>
    tpu.enqueue_dma source(%arg7 : memref<5000xi32, #tpu.memory_space<vmem>>) target(%dma_start3A_49 : memref<5000xi32, #tpu.memory_space<hbm>>) target_semaphore(%arg11 : memref<!tpu.dma_semaphore, #tpu.memory_space<semaphore_mem>>)
    %add3A_50 = arith.constant 1 : i32
    %add3A_51 = arith.addi %add3A_25, %add3A_50 : i32
    %dma_wait3A_52 = tpu.memref_slice %arg4[%mul3A_2] : memref<800000xi32, #tpu.memory_space<hbm>> -> memref<5000xi32, #tpu.memory_space<hbm>>
    %dma_wait3A_53 = tpu.memref_slice %arg4[%mul3A_2] : memref<800000xi32, #tpu.memory_space<hbm>> -> memref<5000xi32, #tpu.memory_space<hbm>>
    tpu.wait_dma2 semaphore(%arg11 : memref<!tpu.dma_semaphore, #tpu.memory_space<semaphore_mem>>) src(%arg7 : memref<5000xi32, #tpu.memory_space<vmem>>) dst(%dma_wait3A_53 : memref<5000xi32, #tpu.memory_space<hbm>>)
    %mul3A_54 = arith.constant 5000 : i32
    %mul3A_55 = arith.muli %add3A_51, %mul3A_54 : i32
    %add3A_56 = arith.addi %mul3A_2, %mul3A_55 : i32
    "tpu.region"() ({
      %run_scoped3A = tpu.sem_alloc : memref<!tpu.dma_semaphore, #tpu.memory_space<semaphore_mem>>
      %dma_start3A_76 = tpu.memref_slice %arg3[%add3A_56] : memref<800000xi32, #tpu.memory_space<hbm>> -> memref<5000xi32, #tpu.memory_space<hbm>>
      %dma_start3A_77 = tpu.memref_slice %arg3[%add3A_56] : memref<800000xi32, #tpu.memory_space<hbm>> -> memref<5000xi32, #tpu.memory_space<hbm>>
      tpu.enqueue_dma source(%dma_start3A_77 : memref<5000xi32, #tpu.memory_space<hbm>>) target(%arg5 : memref<5000xi32, #tpu.memory_space<vmem>>) target_semaphore(%run_scoped3A : memref<!tpu.dma_semaphore, #tpu.memory_space<semaphore_mem>>)
      %dma_wait3A_78 = tpu.memref_slice %arg3[%add3A_56] : memref<800000xi32, #tpu.memory_space<hbm>> -> memref<5000xi32, #tpu.memory_space<hbm>>
      %dma_wait3A_79 = tpu.memref_slice %arg3[%add3A_56] : memref<800000xi32, #tpu.memory_space<hbm>> -> memref<5000xi32, #tpu.memory_space<hbm>>
      tpu.wait_dma2 semaphore(%run_scoped3A : memref<!tpu.dma_semaphore, #tpu.memory_space<semaphore_mem>>) src(%dma_wait3A_79 : memref<5000xi32, #tpu.memory_space<hbm>>) dst(%arg5 : memref<5000xi32, #tpu.memory_space<vmem>>)
      tpu.yield
    }) : () -> ()
    %dma_start3A_57 = arith.constant 0 : i32
    %dma_start3A_58 = tpu.memref_slice %arg2[%dma_start3A_57] : memref<50000xi32, #tpu.memory_space<hbm>> -> memref<50000xi32, #tpu.memory_space<hbm>>
    tpu.enqueue_indirect_dma source(%dma_start3A_58 : memref<50000xi32, #tpu.memory_space<hbm>>) target(%arg7 : memref<5000xi32, #tpu.memory_space<vmem>>) offsets(%arg5 : memref<5000xi32, #tpu.memory_space<vmem>>) semaphore(%arg9 : memref<!tpu.dma_semaphore, #tpu.memory_space<semaphore_mem>>)
    %scan3A_59 = arith.constant 1 : i32
    %dma_wait3A_60 = arith.constant 0 : i32
    %dma_wait3A_61 = tpu.memref_slice %arg2[%dma_wait3A_60] : memref<50000xi32, #tpu.memory_space<hbm>> -> memref<50000xi32, #tpu.memory_space<hbm>>
    tpu.wait_indirect_dma semaphore(%arg10 : memref<!tpu.dma_semaphore, #tpu.memory_space<semaphore_mem>>) src(%dma_wait3A_61 : memref<50000xi32, #tpu.memory_space<hbm>>) dst(%arg8 : memref<5000xi32, #tpu.memory_space<vmem>>)
    %add3A_62 = arith.constant 15000 : i32
    %add3A_63 = arith.addi %mul3A_2, %add3A_62 : i32
    %dma_start3A_64 = tpu.memref_slice %arg4[%add3A_63] : memref<800000xi32, #tpu.memory_space<hbm>> -> memref<5000xi32, #tpu.memory_space<hbm>>
    %dma_start3A_65 = tpu.memref_slice %arg4[%add3A_63] : memref<800000xi32, #tpu.memory_space<hbm>> -> memref<5000xi32, #tpu.memory_space<hbm>>
    tpu.enqueue_dma source(%arg8 : memref<5000xi32, #tpu.memory_space<vmem>>) target(%dma_start3A_65 : memref<5000xi32, #tpu.memory_space<hbm>>) target_semaphore(%arg12 : memref<!tpu.dma_semaphore, #tpu.memory_space<semaphore_mem>>)
    %dma_wait3A_66 = arith.constant 0 : i32
    %dma_wait3A_67 = tpu.memref_slice %arg2[%dma_wait3A_66] : memref<50000xi32, #tpu.memory_space<hbm>> -> memref<50000xi32, #tpu.memory_space<hbm>>
    tpu.wait_indirect_dma semaphore(%arg9 : memref<!tpu.dma_semaphore, #tpu.memory_space<semaphore_mem>>) src(%dma_wait3A_67 : memref<50000xi32, #tpu.memory_space<hbm>>) dst(%arg7 : memref<5000xi32, #tpu.memory_space<vmem>>)
    %add3A_68 = arith.constant 20000 : i32
    %add3A_69 = arith.addi %mul3A_2, %add3A_68 : i32
    %dma_start3A_70 = tpu.memref_slice %arg4[%add3A_69] : memref<800000xi32, #tpu.memory_space<hbm>> -> memref<5000xi32, #tpu.memory_space<hbm>>
    %dma_start3A_71 = tpu.memref_slice %arg4[%add3A_69] : memref<800000xi32, #tpu.memory_space<hbm>> -> memref<5000xi32, #tpu.memory_space<hbm>>
    tpu.enqueue_dma source(%arg7 : memref<5000xi32, #tpu.memory_space<vmem>>) target(%dma_start3A_71 : memref<5000xi32, #tpu.memory_space<hbm>>) target_semaphore(%arg11 : memref<!tpu.dma_semaphore, #tpu.memory_space<semaphore_mem>>)
    %dma_wait3A_72 = tpu.memref_slice %arg4[%mul3A_2] : memref<800000xi32, #tpu.memory_space<hbm>> -> memref<5000xi32, #tpu.memory_space<hbm>>
    %dma_wait3A_73 = tpu.memref_slice %arg4[%mul3A_2] : memref<800000xi32, #tpu.memory_space<hbm>> -> memref<5000xi32, #tpu.memory_space<hbm>>
    tpu.wait_dma2 semaphore(%arg12 : memref<!tpu.dma_semaphore, #tpu.memory_space<semaphore_mem>>) src(%arg8 : memref<5000xi32, #tpu.memory_space<vmem>>) dst(%dma_wait3A_73 : memref<5000xi32, #tpu.memory_space<hbm>>)
    %dma_wait3A_74 = tpu.memref_slice %arg4[%mul3A_2] : memref<800000xi32, #tpu.memory_space<hbm>> -> memref<5000xi32, #tpu.memory_space<hbm>>
    %dma_wait3A_75 = tpu.memref_slice %arg4[%mul3A_2] : memref<800000xi32, #tpu.memory_space<hbm>> -> memref<5000xi32, #tpu.memory_space<hbm>>
    tpu.wait_dma2 semaphore(%arg11 : memref<!tpu.dma_semaphore, #tpu.memory_space<semaphore_mem>>) src(%arg7 : memref<5000xi32, #tpu.memory_space<vmem>>) dst(%dma_wait3A_75 : memref<5000xi32, #tpu.memory_space<hbm>>)
    return
  }
}

module attributes {stable_mosaic.version = 14 : i64} {
  func.func @_edge0_body(%arg0: i32, %arg1: memref<100x3200xf32, #tpu.memory_space<vmem>>, %arg2: memref<1x1x3200xi32, #tpu.memory_space<vmem>>, %arg3: memref<1x1x3200xi32, #tpu.memory_space<vmem>>, %arg4: memref<250xi32, #tpu.memory_space<smem>>, %arg5: memref<250xi32, #tpu.memory_space<smem>>, %arg6: memref<32x32xf32, #tpu.memory_space<vmem>>, %arg7: memref<32x64xf32, #tpu.memory_space<vmem>>, %arg8: memref<1x64xf32, #tpu.memory_space<vmem>>, %arg9: memref<100x64xbf16, #tpu.memory_space<vmem>>, %arg10: memref<1x64xf32, #tpu.memory_space<vmem>>, %arg11: memref<64x32xbf16, #tpu.memory_space<vmem>>, %arg12: memref<50256x32xf32, #tpu.memory_space<vmem>>, %arg13: memref<100x3200xbf16, #tpu.memory_space<vmem>>) attributes {dimension_semantics = [#tpu.dimension_semantics<arbitrary>], iteration_bounds = array<i64: 250>, scalar_prefetch = 0 : i64, scratch_operands = 0 : i64, tpu.core_type = #tpu.core_type<tc>, window_params = [{transform_indices = @transform_0, window_bounds = array<i64: 100, 3200>}, {transform_indices = @transform_1, window_bounds = array<i64: 1, 1, 3200>}, {transform_indices = @transform_2, window_bounds = array<i64: 1, 1, 3200>}, {transform_indices = @transform_3, window_bounds = array<i64: 250>}, {transform_indices = @transform_4, window_bounds = array<i64: 250>}, {pipeline_mode = #tpu.pipeline_mode<synchronous>, transform_indices = @transform_5, window_bounds = array<i64: 32, 32>}, {pipeline_mode = #tpu.pipeline_mode<synchronous>, transform_indices = @transform_6, window_bounds = array<i64: 32, 64>}, {pipeline_mode = #tpu.pipeline_mode<synchronous>, transform_indices = @transform_7, window_bounds = array<i64: 1, 64>}, {pipeline_mode = #tpu.pipeline_mode<synchronous>, transform_indices = @transform_8, window_bounds = array<i64: 100, 64>}, {pipeline_mode = #tpu.pipeline_mode<synchronous>, transform_indices = @transform_9, window_bounds = array<i64: 1, 64>}, {pipeline_mode = #tpu.pipeline_mode<synchronous>, transform_indices = @transform_10, window_bounds = array<i64: 64, 32>}, {pipeline_mode = #tpu.pipeline_mode<synchronous>, transform_indices = @transform_11, window_bounds = array<i64: 50256, 32>}, {transform_indices = @transform_12, window_bounds = array<i64: 100, 3200>}]} {
    %eq3A = arith.constant 0 : i32
    %eq3A_0 = arith.cmpi eq, %arg0, %eq3A : i32
    %convert_element_type3A = arith.extui %eq3A_0 : i1 to i32
    %cond3A = arith.constant 0 : i32
    %cond3A_1 = arith.cmpi ne, %convert_element_type3A, %cond3A : i32
    scf.if %cond3A_1 {
      %broadcast_in_dim3A = arith.constant 0.000000e+00 : f32
      %broadcast_in_dim3A_65 = vector.broadcast %broadcast_in_dim3A : f32 to vector<50256x32xf32>
      %swap3A_66 = arith.constant 0 : index
      %swap3A_67 = arith.constant 0 : index
      %swap3A_68 = vector.load %arg12[%swap3A_66, %swap3A_67] : memref<50256x32xf32, #tpu.memory_space<vmem>>, vector<50256x32xf32>
      tpu.vector_store %arg12[%swap3A_66, %swap3A_67], %broadcast_in_dim3A_65 {strides = array<i32>} : memref<50256x32xf32, #tpu.memory_space<vmem>>, vector<50256x32xf32>,
    } else {
    }
    %get3A = arith.constant 0 : index
    %get3A_2 = arith.constant 0 : index
    %get3A_3 = vector.load %arg6[%get3A, %get3A_2] : memref<32x32xf32, #tpu.memory_space<vmem>>, vector<32x32xf32>
    %get3A_4 = arith.constant 0 : index
    %get3A_5 = arith.constant 0 : index
    %get3A_6 = vector.load %arg7[%get3A_4, %get3A_5] : memref<32x64xf32, #tpu.memory_space<vmem>>, vector<32x64xf32>
    %dot_general3A = arith.constant dense<0.000000e+00> : vector<32x64xf32>
    %dot_general3A_7 = tpu.matmul %get3A_3, %get3A_6, %dot_general3A {dimension_numbers = #tpu.dot_dimension_numbers<[1], [0], [0], [1], [0, 0, 1, 1], [], []>, transpose_lhs_hint = false} : vector<32x32xf32>, vector<32x64xf32>, vector<32x64xf32> -> vector<32x64xf32>
    %get3A_8 = arith.constant 0 : index
    %get3A_9 = arith.constant 0 : index
    %get3A_10 = vector.load %arg8[%get3A_8, %get3A_9] : memref<1x64xf32, #tpu.memory_space<vmem>>, vector<1x64xf32>
    %add3A = vector.broadcast %get3A_10 : vector<1x64xf32> to vector<32x64xf32>
    %add3A_11 = arith.addf %dot_general3A_7, %add3A : vector<32x64xf32>
    %iota3A = tpu.iota {dimensions = array<i32: 0>} : vector<32x3200xi32>
    %get3A_12 = arith.constant 0 : index
    %get3A_13 = arith.constant 0 : index
    %get3A_14 = arith.constant 0 : index
    %get3A_15 = vector.load %arg2[%get3A_12, %get3A_13, %get3A_14] : memref<1x1x3200xi32, #tpu.memory_space<vmem>>, vector<1x1x3200xi32>
    %get3A_16 = vector.shape_cast %get3A_15 : vector<1x1x3200xi32> to vector<1x3200xi32>
    %eq3A_17 = vector.broadcast %get3A_16 : vector<1x3200xi32> to vector<32x3200xi32>
    %eq3A_18 = arith.cmpi eq, %iota3A, %eq3A_17 : vector<32x3200xi32>
    %convert_element_type3A_19 = arith.extui %eq3A_18 : vector<32x3200xi1> to vector<32x3200xi32>
    %convert_element_type3A_20 = arith.sitofp %convert_element_type3A_19 : vector<32x3200xi32> to vector<32x3200xf32>
    %dot_general3A_21 = arith.constant dense<0.000000e+00> : vector<3200x64xf32>
    %dot_general3A_22 = tpu.matmul %convert_element_type3A_20, %add3A_11, %dot_general3A_21 {dimension_numbers = #tpu.dot_dimension_numbers<[0], [0], [1], [1], [0, 1, 1, 1], [], []>, transpose_lhs_hint = false} : vector<32x3200xf32>, vector<32x64xf32>, vector<3200x64xf32> -> vector<3200x64xf32>
    %get3A_23 = arith.constant 0 : index
    %get3A_24 = arith.constant 0 : index
    %get3A_25 = vector.load %arg1[%get3A_23, %get3A_24] : memref<100x3200xf32, #tpu.memory_space<vmem>>, vector<100x3200xf32>
    %convert_element_type3A_26 = arith.truncf %get3A_25 : vector<100x3200xf32> to vector<100x3200xbf16>
    %swap3A = arith.constant 0 : index
    %swap3A_27 = arith.constant 0 : index
    %swap3A_28 = vector.load %arg13[%swap3A, %swap3A_27] : memref<100x3200xbf16, #tpu.memory_space<vmem>>, vector<100x3200xbf16>
    tpu.vector_store %arg13[%swap3A, %swap3A_27], %convert_element_type3A_26 {strides = array<i32>} : memref<100x3200xbf16, #tpu.memory_space<vmem>>, vector<100x3200xbf16>,
    %get3A_29 = arith.constant 0 : index
    %get3A_30 = arith.constant 0 : index
    %get3A_31 = vector.load %arg9[%get3A_29, %get3A_30] : memref<100x64xbf16, #tpu.memory_space<vmem>>, vector<100x64xbf16>
    %dot_general3A_32 = arith.constant dense<0.000000e+00> : vector<3200x64xf32>
    %dot_general3A_33 = tpu.matmul %convert_element_type3A_26, %get3A_31, %dot_general3A_32 {dimension_numbers = #tpu.dot_dimension_numbers<[0], [0], [1], [1], [0, 1, 1, 1], [], []>, transpose_lhs_hint = false} : vector<100x3200xbf16>, vector<100x64xbf16>, vector<3200x64xf32> -> vector<3200x64xf32>
    %get3A_34 = arith.constant 0 : index
    %get3A_35 = arith.constant 0 : index
    %get3A_36 = vector.load %arg10[%get3A_34, %get3A_35] : memref<1x64xf32, #tpu.memory_space<vmem>>, vector<1x64xf32>
    %add3A_37 = vector.broadcast %get3A_36 : vector<1x64xf32> to vector<3200x64xf32>
    %add3A_38 = arith.addf %dot_general3A_33, %add3A_37 : vector<3200x64xf32>
    %mul3A = arith.mulf %add3A_38, %dot_general3A_22 : vector<3200x64xf32>
    %convert_element_type3A_39 = arith.truncf %mul3A : vector<3200x64xf32> to vector<3200x64xbf16>
    %get3A_40 = arith.constant 0 : index
    %get3A_41 = arith.constant 0 : index
    %get3A_42 = vector.load %arg11[%get3A_40, %get3A_41] : memref<64x32xbf16, #tpu.memory_space<vmem>>, vector<64x32xbf16>
    %dot_general3A_43 = arith.constant dense<0.000000e+00> : vector<3200x32xf32>
    %dot_general3A_44 = tpu.matmul %convert_element_type3A_39, %get3A_42, %dot_general3A_43 {dimension_numbers = #tpu.dot_dimension_numbers<[1], [0], [0], [1], [0, 0, 1, 1], [], []>, transpose_lhs_hint = false} : vector<3200x64xbf16>, vector<64x32xbf16>, vector<3200x32xf32> -> vector<3200x32xf32>
    %tanh3A = math.tanh %dot_general3A_44 : vector<3200x32xf32>
    %get3A_45 = arith.index_cast %arg0 : i32 to index
    %get3A_46 = memref.load %arg4[%get3A_45] : memref<250xi32, #tpu.memory_space<smem>>
    %get3A_47 = arith.index_cast %arg0 : i32 to index
    %get3A_48 = memref.load %arg5[%get3A_47] : memref<250xi32, #tpu.memory_space<smem>>
    %get3A_49 = arith.constant 0 : index
    %get3A_50 = arith.constant 0 : index
    %get3A_51 = arith.constant 0 : index
    %get3A_52 = vector.load %arg3[%get3A_49, %get3A_50, %get3A_51] : memref<1x1x3200xi32, #tpu.memory_space<vmem>>, vector<1x1x3200xi32>
    %get3A_53 = vector.shape_cast %get3A_52 : vector<1x1x3200xi32> to vector<1x3200xi32>
    %convert_element_type3A_54 = arith.truncf %tanh3A : vector<3200x32xf32> to vector<3200x32xbf16>
    %iota3A_55 = tpu.iota {dimensions = array<i32: 0>} : vector<256x3200xi32>
    %while3A = arith.constant 0 : i32
    %while3A_56 = arith.constant 0 : i32
    %while3A_57 = arith.subi %get3A_48, %while3A_56 : i32
    %while3A_58 = arith.addi %while3A_56, %while3A_57 : i32
    %while3A_59 = arith.constant 1 : i32
    %while3A_60 = arith.divsi %while3A_57, %while3A_59 : i32
    %while3A_61 = arith.muli %while3A_60, %while3A_59 : i32
    %while3A_62 = arith.addi %while3A_56, %while3A_61 : i32
    %while3A_63 = arith.constant 1 : i32
    scf.for %while3A_65 = %while3A_56 to %while3A_62 step %while3A_63  : i32 {
      %mul3A_66 = arith.constant 256 : i32
      %mul3A_67 = arith.muli %while3A_65, %mul3A_66 : i32
      %add3A_68 = arith.addi %get3A_46, %mul3A_67 : i32
      %sub3A = vector.broadcast %add3A_68 : i32 to vector<1x3200xi32>
      %sub3A_69 = arith.subi %get3A_53, %sub3A : vector<1x3200xi32>
      %eq3A_70 = vector.broadcast %sub3A_69 : vector<1x3200xi32> to vector<256x3200xi32>
      %eq3A_71 = arith.cmpi eq, %iota3A_55, %eq3A_70 : vector<256x3200xi32>
      %convert_element_type3A_72 = arith.extui %eq3A_71 : vector<256x3200xi1> to vector<256x3200xi32>
      %convert_element_type3A_73 = arith.sitofp %convert_element_type3A_72 : vector<256x3200xi32> to vector<256x3200xf32>
      %convert_element_type3A_74 = arith.truncf %convert_element_type3A_73 : vector<256x3200xf32> to vector<256x3200xbf16>
      %dot_general3A_75 = arith.constant dense<0.000000e+00> : vector<256x32xf32>
      %dot_general3A_76 = tpu.matmul %convert_element_type3A_74, %convert_element_type3A_54, %dot_general3A_75 {dimension_numbers = #tpu.dot_dimension_numbers<[1], [0], [0], [1], [0, 0, 1, 1], [], []>, transpose_lhs_hint = false} : vector<256x3200xbf16>, vector<3200x32xbf16>, vector<256x32xf32> -> vector<256x32xf32>
      %get3A_77 = arith.index_cast %add3A_68 : i32 to index
      %get3A_78 = arith.constant 0 : index
      %get3A_79 = vector.load %arg12[%get3A_77, %get3A_78] : memref<50256x32xf32, #tpu.memory_space<vmem>>, vector<256x32xf32>
      %add3A_80 = arith.addf %get3A_79, %dot_general3A_76 : vector<256x32xf32>
      %swap3A_81 = arith.index_cast %add3A_68 : i32 to index
      %swap3A_82 = arith.constant 0 : index
      %swap3A_83 = vector.load %arg12[%swap3A_81, %swap3A_82] : memref<50256x32xf32, #tpu.memory_space<vmem>>, vector<256x32xf32>
      tpu.vector_store %arg12[%swap3A_81, %swap3A_82], %add3A_80 {strides = array<i32>} : memref<50256x32xf32, #tpu.memory_space<vmem>>, vector<256x32xf32>,
    }
    %while3A_64 = arith.constant 1 : i32
    scf.for %while3A_65 = %while3A_62 to %while3A_58 step %while3A_64  : i32 {
      %mul3A_66 = arith.constant 256 : i32
      %mul3A_67 = arith.muli %while3A_65, %mul3A_66 : i32
      %add3A_68 = arith.addi %get3A_46, %mul3A_67 : i32
      %sub3A = vector.broadcast %add3A_68 : i32 to vector<1x3200xi32>
      %sub3A_69 = arith.subi %get3A_53, %sub3A : vector<1x3200xi32>
      %eq3A_70 = vector.broadcast %sub3A_69 : vector<1x3200xi32> to vector<256x3200xi32>
      %eq3A_71 = arith.cmpi eq, %iota3A_55, %eq3A_70 : vector<256x3200xi32>
      %convert_element_type3A_72 = arith.extui %eq3A_71 : vector<256x3200xi1> to vector<256x3200xi32>
      %convert_element_type3A_73 = arith.sitofp %convert_element_type3A_72 : vector<256x3200xi32> to vector<256x3200xf32>
      %convert_element_type3A_74 = arith.truncf %convert_element_type3A_73 : vector<256x3200xf32> to vector<256x3200xbf16>
      %dot_general3A_75 = arith.constant dense<0.000000e+00> : vector<256x32xf32>
      %dot_general3A_76 = tpu.matmul %convert_element_type3A_74, %convert_element_type3A_54, %dot_general3A_75 {dimension_numbers = #tpu.dot_dimension_numbers<[1], [0], [0], [1], [0, 0, 1, 1], [], []>, transpose_lhs_hint = false} : vector<256x3200xbf16>, vector<3200x32xbf16>, vector<256x32xf32> -> vector<256x32xf32>
      %get3A_77 = arith.index_cast %add3A_68 : i32 to index
      %get3A_78 = arith.constant 0 : index
      %get3A_79 = vector.load %arg12[%get3A_77, %get3A_78] : memref<50256x32xf32, #tpu.memory_space<vmem>>, vector<256x32xf32>
      %add3A_80 = arith.addf %get3A_79, %dot_general3A_76 : vector<256x32xf32>
      %swap3A_81 = arith.index_cast %add3A_68 : i32 to index
      %swap3A_82 = arith.constant 0 : index
      %swap3A_83 = vector.load %arg12[%swap3A_81, %swap3A_82] : memref<50256x32xf32, #tpu.memory_space<vmem>>, vector<256x32xf32>
      tpu.vector_store %arg12[%swap3A_81, %swap3A_82], %add3A_80 {strides = array<i32>} : memref<50256x32xf32, #tpu.memory_space<vmem>>, vector<256x32xf32>,
    }
    return
  }
  func.func @transform_0(%arg0: i32) -> (i32, i32) {
    %c0_i32 = arith.constant 0 : i32
    %c0_i32_0 = arith.constant 0 : i32
    return %c0_i32, %arg0 : i32, i32
  }
  func.func @transform_1(%arg0: i32) -> (i32, i32, i32) {
    %c0_i32 = arith.constant 0 : i32
    %c0_i32_0 = arith.constant 0 : i32
    %c0_i32_1 = arith.constant 0 : i32
    return %arg0, %c0_i32, %c0_i32_0 : i32, i32, i32
  }
  func.func @transform_2(%arg0: i32) -> (i32, i32, i32) {
    %c0_i32 = arith.constant 0 : i32
    %c0_i32_0 = arith.constant 0 : i32
    %c0_i32_1 = arith.constant 0 : i32
    return %arg0, %c0_i32, %c0_i32_0 : i32, i32, i32
  }
  func.func @transform_3(%arg0: i32) -> i32 {
    %c0_i32 = arith.constant 0 : i32
    %c0_i32_0 = arith.constant 0 : i32
    return %c0_i32 : i32
  }
  func.func @transform_4(%arg0: i32) -> i32 {
    %c0_i32 = arith.constant 0 : i32
    %c0_i32_0 = arith.constant 0 : i32
    return %c0_i32 : i32
  }
  func.func @transform_5(%arg0: i32) -> (i32, i32) {
    %c0_i32 = arith.constant 0 : i32
    %c0_i32_0 = arith.constant 0 : i32
    %c0_i32_1 = arith.constant 0 : i32
    return %c0_i32, %c0_i32_0 : i32, i32
  }
  func.func @transform_6(%arg0: i32) -> (i32, i32) {
    %c0_i32 = arith.constant 0 : i32
    %c0_i32_0 = arith.constant 0 : i32
    %c0_i32_1 = arith.constant 0 : i32
    return %c0_i32, %c0_i32_0 : i32, i32
  }
  func.func @transform_7(%arg0: i32) -> (i32, i32) {
    %c0_i32 = arith.constant 0 : i32
    %c0_i32_0 = arith.constant 0 : i32
    %c0_i32_1 = arith.constant 0 : i32
    return %c0_i32, %c0_i32_0 : i32, i32
  }
  func.func @transform_8(%arg0: i32) -> (i32, i32) {
    %c0_i32 = arith.constant 0 : i32
    %c0_i32_0 = arith.constant 0 : i32
    %c0_i32_1 = arith.constant 0 : i32
    return %c0_i32, %c0_i32_0 : i32, i32
  }
  func.func @transform_9(%arg0: i32) -> (i32, i32) {
    %c0_i32 = arith.constant 0 : i32
    %c0_i32_0 = arith.constant 0 : i32
    %c0_i32_1 = arith.constant 0 : i32
    return %c0_i32, %c0_i32_0 : i32, i32
  }
  func.func @transform_10(%arg0: i32) -> (i32, i32) {
    %c0_i32 = arith.constant 0 : i32
    %c0_i32_0 = arith.constant 0 : i32
    %c0_i32_1 = arith.constant 0 : i32
    return %c0_i32, %c0_i32_0 : i32, i32
  }
  func.func @transform_11(%arg0: i32) -> (i32, i32) {
    %c0_i32 = arith.constant 0 : i32
    %c0_i32_0 = arith.constant 0 : i32
    %c0_i32_1 = arith.constant 0 : i32
    return %c0_i32, %c0_i32_0 : i32, i32
  }
  func.func @transform_12(%arg0: i32) -> (i32, i32) {
    %c0_i32 = arith.constant 0 : i32
    %c0_i32_0 = arith.constant 0 : i32
    return %c0_i32, %arg0 : i32, i32
  }
}

module attributes {stable_mosaic.version = 14 : i64} {
  func.func @_mid_body(%arg0: i32, %arg1: memref<5000x32xf32, #tpu.memory_space<vmem>>, %arg2: memref<1x1x5000xi32, #tpu.memory_space<vmem>>, %arg3: memref<32x32xf32, #tpu.memory_space<vmem>>, %arg4: memref<32x64xf32, #tpu.memory_space<vmem>>, %arg5: memref<1x64xf32, #tpu.memory_space<vmem>>, %arg6: memref<1x64xf32, #tpu.memory_space<vmem>>, %arg7: memref<64x32xf32, #tpu.memory_space<vmem>>, %arg8: memref<32x128xf32, #tpu.memory_space<vmem>>, %arg9: memref<1x128xf32, #tpu.memory_space<vmem>>, %arg10: memref<1x128xf32, #tpu.memory_space<vmem>>, %arg11: memref<128x32xf32, #tpu.memory_space<vmem>>, %arg12: memref<5000x128xf32, #tpu.memory_space<vmem>>, %arg13: memref<5000x32xf32, #tpu.memory_space<vmem>>) attributes {dimension_semantics = [#tpu.dimension_semantics<arbitrary>], iteration_bounds = array<i64: 10>, scalar_prefetch = 0 : i64, scratch_operands = 0 : i64, tpu.core_type = #tpu.core_type<tc>, window_params = [{transform_indices = @transform_0, window_bounds = array<i64: 5000, 32>}, {transform_indices = @transform_1, window_bounds = array<i64: 1, 1, 5000>}, {pipeline_mode = #tpu.pipeline_mode<synchronous>, transform_indices = @transform_2, window_bounds = array<i64: 32, 32>}, {pipeline_mode = #tpu.pipeline_mode<synchronous>, transform_indices = @transform_3, window_bounds = array<i64: 32, 64>}, {pipeline_mode = #tpu.pipeline_mode<synchronous>, transform_indices = @transform_4, window_bounds = array<i64: 1, 64>}, {pipeline_mode = #tpu.pipeline_mode<synchronous>, transform_indices = @transform_5, window_bounds = array<i64: 1, 64>}, {pipeline_mode = #tpu.pipeline_mode<synchronous>, transform_indices = @transform_6, window_bounds = array<i64: 64, 32>}, {pipeline_mode = #tpu.pipeline_mode<synchronous>, transform_indices = @transform_7, window_bounds = array<i64: 32, 128>}, {pipeline_mode = #tpu.pipeline_mode<synchronous>, transform_indices = @transform_8, window_bounds = array<i64: 1, 128>}, {pipeline_mode = #tpu.pipeline_mode<synchronous>, transform_indices = @transform_9, window_bounds = array<i64: 1, 128>}, {pipeline_mode = #tpu.pipeline_mode<synchronous>, transform_indices = @transform_10, window_bounds = array<i64: 128, 32>}, {transform_indices = @transform_11, window_bounds = array<i64: 5000, 128>}, {transform_indices = @transform_12, window_bounds = array<i64: 5000, 32>}]} {
    %get3A = arith.constant 0 : index
    %get3A_0 = arith.constant 0 : index
    %get3A_1 = vector.load %arg3[%get3A, %get3A_0] : memref<32x32xf32, #tpu.memory_space<vmem>>, vector<32x32xf32>
    %get3A_2 = arith.constant 0 : index
    %get3A_3 = arith.constant 0 : index
    %get3A_4 = vector.load %arg4[%get3A_2, %get3A_3] : memref<32x64xf32, #tpu.memory_space<vmem>>, vector<32x64xf32>
    %dot_general3A = arith.constant dense<0.000000e+00> : vector<32x64xf32>
    %dot_general3A_5 = tpu.matmul %get3A_1, %get3A_4, %dot_general3A {dimension_numbers = #tpu.dot_dimension_numbers<[1], [0], [0], [1], [0, 0, 1, 1], [], []>, transpose_lhs_hint = false} : vector<32x32xf32>, vector<32x64xf32>, vector<32x64xf32> -> vector<32x64xf32>
    %get3A_6 = arith.constant 0 : index
    %get3A_7 = arith.constant 0 : index
    %get3A_8 = vector.load %arg5[%get3A_6, %get3A_7] : memref<1x64xf32, #tpu.memory_space<vmem>>, vector<1x64xf32>
    %add3A = vector.broadcast %get3A_8 : vector<1x64xf32> to vector<32x64xf32>
    %add3A_9 = arith.addf %dot_general3A_5, %add3A : vector<32x64xf32>
    %get3A_10 = arith.constant 0 : index
    %get3A_11 = arith.constant 0 : index
    %get3A_12 = vector.load %arg6[%get3A_10, %get3A_11] : memref<1x64xf32, #tpu.memory_space<vmem>>, vector<1x64xf32>
    %mul3A = vector.broadcast %get3A_12 : vector<1x64xf32> to vector<32x64xf32>
    %mul3A_13 = arith.mulf %mul3A, %add3A_9 : vector<32x64xf32>
    %get3A_14 = arith.constant 0 : index
    %get3A_15 = arith.constant 0 : index
    %get3A_16 = vector.load %arg7[%get3A_14, %get3A_15] : memref<64x32xf32, #tpu.memory_space<vmem>>, vector<64x32xf32>
    %dot_general3A_17 = arith.constant dense<0.000000e+00> : vector<32x32xf32>
    %dot_general3A_18 = tpu.matmul %mul3A_13, %get3A_16, %dot_general3A_17 {dimension_numbers = #tpu.dot_dimension_numbers<[1], [0], [0], [1], [0, 0, 1, 1], [], []>, transpose_lhs_hint = false} : vector<32x64xf32>, vector<64x32xf32>, vector<32x32xf32> -> vector<32x32xf32>
    %tanh3A = math.tanh %dot_general3A_18 : vector<32x32xf32>
    %get3A_19 = arith.constant 0 : index
    %get3A_20 = arith.constant 0 : index
    %get3A_21 = vector.load %arg3[%get3A_19, %get3A_20] : memref<32x32xf32, #tpu.memory_space<vmem>>, vector<32x32xf32>
    %sub3A = arith.subf %get3A_21, %tanh3A : vector<32x32xf32>
    %iota3A = tpu.iota {dimensions = array<i32: 0>} : vector<32x5000xi32>
    %get3A_22 = arith.constant 0 : index
    %get3A_23 = arith.constant 0 : index
    %get3A_24 = arith.constant 0 : index
    %get3A_25 = vector.load %arg2[%get3A_22, %get3A_23, %get3A_24] : memref<1x1x5000xi32, #tpu.memory_space<vmem>>, vector<1x1x5000xi32>
    %get3A_26 = vector.shape_cast %get3A_25 : vector<1x1x5000xi32> to vector<1x5000xi32>
    %eq3A = vector.broadcast %get3A_26 : vector<1x5000xi32> to vector<32x5000xi32>
    %eq3A_27 = arith.cmpi eq, %iota3A, %eq3A : vector<32x5000xi32>
    %convert_element_type3A = arith.extui %eq3A_27 : vector<32x5000xi1> to vector<32x5000xi32>
    %convert_element_type3A_28 = arith.sitofp %convert_element_type3A : vector<32x5000xi32> to vector<32x5000xf32>
    %get3A_29 = arith.constant 0 : index
    %get3A_30 = arith.constant 0 : index
    %get3A_31 = vector.load %arg1[%get3A_29, %get3A_30] : memref<5000x32xf32, #tpu.memory_space<vmem>>, vector<5000x32xf32>
    %dot_general3A_32 = arith.constant dense<0.000000e+00> : vector<5000x32xf32>
    %dot_general3A_33 = tpu.matmul %convert_element_type3A_28, %sub3A, %dot_general3A_32 {dimension_numbers = #tpu.dot_dimension_numbers<[0], [0], [1], [1], [0, 1, 1, 1], [], []>, transpose_lhs_hint = false} : vector<32x5000xf32>, vector<32x32xf32>, vector<5000x32xf32> -> vector<5000x32xf32>
    %add3A_34 = arith.addf %get3A_31, %dot_general3A_33 : vector<5000x32xf32>
    %get3A_35 = arith.constant 0 : index
    %get3A_36 = arith.constant 0 : index
    %get3A_37 = vector.load %arg8[%get3A_35, %get3A_36] : memref<32x128xf32, #tpu.memory_space<vmem>>, vector<32x128xf32>
    %dot_general3A_38 = arith.constant dense<0.000000e+00> : vector<5000x128xf32>
    %dot_general3A_39 = tpu.matmul %add3A_34, %get3A_37, %dot_general3A_38 {dimension_numbers = #tpu.dot_dimension_numbers<[1], [0], [0], [1], [0, 0, 1, 1], [], []>, transpose_lhs_hint = false} : vector<5000x32xf32>, vector<32x128xf32>, vector<5000x128xf32> -> vector<5000x128xf32>
    %get3A_40 = arith.constant 0 : index
    %get3A_41 = arith.constant 0 : index
    %get3A_42 = vector.load %arg9[%get3A_40, %get3A_41] : memref<1x128xf32, #tpu.memory_space<vmem>>, vector<1x128xf32>
    %add3A_43 = vector.broadcast %get3A_42 : vector<1x128xf32> to vector<5000x128xf32>
    %add3A_44 = arith.addf %dot_general3A_39, %add3A_43 : vector<5000x128xf32>
    %swap3A = arith.constant 0 : index
    %swap3A_45 = arith.constant 0 : index
    %swap3A_46 = vector.load %arg12[%swap3A, %swap3A_45] : memref<5000x128xf32, #tpu.memory_space<vmem>>, vector<5000x128xf32>
    tpu.vector_store %arg12[%swap3A, %swap3A_45], %add3A_44 {strides = array<i32>} : memref<5000x128xf32, #tpu.memory_space<vmem>>, vector<5000x128xf32>,
    %get3A_47 = arith.constant 0 : index
    %get3A_48 = arith.constant 0 : index
    %get3A_49 = vector.load %arg10[%get3A_47, %get3A_48] : memref<1x128xf32, #tpu.memory_space<vmem>>, vector<1x128xf32>
    %mul3A_50 = vector.broadcast %get3A_49 : vector<1x128xf32> to vector<5000x128xf32>
    %mul3A_51 = arith.mulf %mul3A_50, %add3A_44 : vector<5000x128xf32>
    %get3A_52 = arith.constant 0 : index
    %get3A_53 = arith.constant 0 : index
    %get3A_54 = vector.load %arg11[%get3A_52, %get3A_53] : memref<128x32xf32, #tpu.memory_space<vmem>>, vector<128x32xf32>
    %dot_general3A_55 = arith.constant dense<0.000000e+00> : vector<5000x32xf32>
    %dot_general3A_56 = tpu.matmul %mul3A_51, %get3A_54, %dot_general3A_55 {dimension_numbers = #tpu.dot_dimension_numbers<[1], [0], [0], [1], [0, 0, 1, 1], [], []>, transpose_lhs_hint = false} : vector<5000x128xf32>, vector<128x32xf32>, vector<5000x32xf32> -> vector<5000x32xf32>
    %tanh3A_57 = math.tanh %dot_general3A_56 : vector<5000x32xf32>
    %sub3A_58 = arith.subf %add3A_34, %tanh3A_57 : vector<5000x32xf32>
    %swap3A_59 = arith.constant 0 : index
    %swap3A_60 = arith.constant 0 : index
    %swap3A_61 = vector.load %arg13[%swap3A_59, %swap3A_60] : memref<5000x32xf32, #tpu.memory_space<vmem>>, vector<5000x32xf32>
    tpu.vector_store %arg13[%swap3A_59, %swap3A_60], %sub3A_58 {strides = array<i32>} : memref<5000x32xf32, #tpu.memory_space<vmem>>, vector<5000x32xf32>,
    return
  }
  func.func @transform_0(%arg0: i32) -> (i32, i32) {
    %c0_i32 = arith.constant 0 : i32
    %c0_i32_0 = arith.constant 0 : i32
    return %arg0, %c0_i32 : i32, i32
  }
  func.func @transform_1(%arg0: i32) -> (i32, i32, i32) {
    %c0_i32 = arith.constant 0 : i32
    %c0_i32_0 = arith.constant 0 : i32
    %c0_i32_1 = arith.constant 0 : i32
    return %arg0, %c0_i32, %c0_i32_0 : i32, i32, i32
  }
  func.func @transform_2(%arg0: i32) -> (i32, i32) {
    %c0_i32 = arith.constant 0 : i32
    %c0_i32_0 = arith.constant 0 : i32
    %c0_i32_1 = arith.constant 0 : i32
    return %c0_i32, %c0_i32_0 : i32, i32
  }
  func.func @transform_3(%arg0: i32) -> (i32, i32) {
    %c0_i32 = arith.constant 0 : i32
    %c0_i32_0 = arith.constant 0 : i32
    %c0_i32_1 = arith.constant 0 : i32
    return %c0_i32, %c0_i32_0 : i32, i32
  }
  func.func @transform_4(%arg0: i32) -> (i32, i32) {
    %c0_i32 = arith.constant 0 : i32
    %c0_i32_0 = arith.constant 0 : i32
    %c0_i32_1 = arith.constant 0 : i32
    return %c0_i32, %c0_i32_0 : i32, i32
  }
  func.func @transform_5(%arg0: i32) -> (i32, i32) {
    %c0_i32 = arith.constant 0 : i32
    %c0_i32_0 = arith.constant 0 : i32
    %c0_i32_1 = arith.constant 0 : i32
    return %c0_i32, %c0_i32_0 : i32, i32
  }
  func.func @transform_6(%arg0: i32) -> (i32, i32) {
    %c0_i32 = arith.constant 0 : i32
    %c0_i32_0 = arith.constant 0 : i32
    %c0_i32_1 = arith.constant 0 : i32
    return %c0_i32, %c0_i32_0 : i32, i32
  }
  func.func @transform_7(%arg0: i32) -> (i32, i32) {
    %c0_i32 = arith.constant 0 : i32
    %c0_i32_0 = arith.constant 0 : i32
    %c0_i32_1 = arith.constant 0 : i32
    return %c0_i32, %c0_i32_0 : i32, i32
  }
  func.func @transform_8(%arg0: i32) -> (i32, i32) {
    %c0_i32 = arith.constant 0 : i32
    %c0_i32_0 = arith.constant 0 : i32
    %c0_i32_1 = arith.constant 0 : i32
    return %c0_i32, %c0_i32_0 : i32, i32
  }
  func.func @transform_9(%arg0: i32) -> (i32, i32) {
    %c0_i32 = arith.constant 0 : i32
    %c0_i32_0 = arith.constant 0 : i32
    %c0_i32_1 = arith.constant 0 : i32
    return %c0_i32, %c0_i32_0 : i32, i32
  }
  func.func @transform_10(%arg0: i32) -> (i32, i32) {
    %c0_i32 = arith.constant 0 : i32
    %c0_i32_0 = arith.constant 0 : i32
    %c0_i32_1 = arith.constant 0 : i32
    return %c0_i32, %c0_i32_0 : i32, i32
  }
  func.func @transform_11(%arg0: i32) -> (i32, i32) {
    %c0_i32 = arith.constant 0 : i32
    %c0_i32_0 = arith.constant 0 : i32
    return %arg0, %c0_i32 : i32, i32
  }
  func.func @transform_12(%arg0: i32) -> (i32, i32) {
    %c0_i32 = arith.constant 0 : i32
    %c0_i32_0 = arith.constant 0 : i32
    return %arg0, %c0_i32 : i32, i32
  }
}

module attributes {stable_mosaic.version = 14 : i64} {
  func.func @_edge1_body(%arg0: i32, %arg1: memref<100x3200xbf16, #tpu.memory_space<vmem>>, %arg2: memref<3200x128xf32, #tpu.memory_space<vmem>>, %arg3: memref<1x1x3200xi32, #tpu.memory_space<vmem>>, %arg4: memref<250xi32, #tpu.memory_space<smem>>, %arg5: memref<250xi32, #tpu.memory_space<smem>>, %arg6: memref<100x64xbf16, #tpu.memory_space<vmem>>, %arg7: memref<1x64xf32, #tpu.memory_space<vmem>>, %arg8: memref<64x32xbf16, #tpu.memory_space<vmem>>, %arg9: memref<50256x32xf32, #tpu.memory_space<vmem>>) attributes {dimension_semantics = [#tpu.dimension_semantics<arbitrary>], iteration_bounds = array<i64: 130>, scalar_prefetch = 0 : i64, scratch_operands = 0 : i64, tpu.core_type = #tpu.core_type<tc>, window_params = [{transform_indices = @transform_0, window_bounds = array<i64: 100, 3200>}, {transform_indices = @transform_1, window_bounds = array<i64: 3200, 128>}, {transform_indices = @transform_2, window_bounds = array<i64: 1, 1, 3200>}, {transform_indices = @transform_3, window_bounds = array<i64: 250>}, {transform_indices = @transform_4, window_bounds = array<i64: 250>}, {pipeline_mode = #tpu.pipeline_mode<synchronous>, transform_indices = @transform_5, window_bounds = array<i64: 100, 64>}, {pipeline_mode = #tpu.pipeline_mode<synchronous>, transform_indices = @transform_6, window_bounds = array<i64: 1, 64>}, {pipeline_mode = #tpu.pipeline_mode<synchronous>, transform_indices = @transform_7, window_bounds = array<i64: 64, 32>}, {pipeline_mode = #tpu.pipeline_mode<synchronous>, transform_indices = @transform_8, window_bounds = array<i64: 50256, 32>}]} {
    %eq3A = arith.constant 0 : i32
    %eq3A_0 = arith.cmpi eq, %arg0, %eq3A : i32
    %convert_element_type3A = arith.extui %eq3A_0 : i1 to i32
    %cond3A = arith.constant 0 : i32
    %cond3A_1 = arith.cmpi ne, %convert_element_type3A, %cond3A : i32
    scf.if %cond3A_1 {
      %broadcast_in_dim3A = arith.constant 0.000000e+00 : f32
      %broadcast_in_dim3A_42 = vector.broadcast %broadcast_in_dim3A : f32 to vector<50256x32xf32>
      %swap3A = arith.constant 0 : index
      %swap3A_43 = arith.constant 0 : index
      %swap3A_44 = vector.load %arg9[%swap3A, %swap3A_43] : memref<50256x32xf32, #tpu.memory_space<vmem>>, vector<50256x32xf32>
      tpu.vector_store %arg9[%swap3A, %swap3A_43], %broadcast_in_dim3A_42 {strides = array<i32>} : memref<50256x32xf32, #tpu.memory_space<vmem>>, vector<50256x32xf32>,
    } else {
    }
    %get3A = arith.constant 0 : index
    %get3A_2 = arith.constant 0 : index
    %get3A_3 = vector.load %arg1[%get3A, %get3A_2] : memref<100x3200xbf16, #tpu.memory_space<vmem>>, vector<100x3200xbf16>
    %get3A_4 = arith.constant 0 : index
    %get3A_5 = arith.constant 0 : index
    %get3A_6 = vector.load %arg6[%get3A_4, %get3A_5] : memref<100x64xbf16, #tpu.memory_space<vmem>>, vector<100x64xbf16>
    %dot_general3A = arith.constant dense<0.000000e+00> : vector<3200x64xf32>
    %dot_general3A_7 = tpu.matmul %get3A_3, %get3A_6, %dot_general3A {dimension_numbers = #tpu.dot_dimension_numbers<[0], [0], [1], [1], [0, 1, 1, 1], [], []>, transpose_lhs_hint = false} : vector<100x3200xbf16>, vector<100x64xbf16>, vector<3200x64xf32> -> vector<3200x64xf32>
    %get3A_8 = arith.constant 0 : index
    %get3A_9 = arith.constant 0 : index
    %get3A_10 = vector.load %arg7[%get3A_8, %get3A_9] : memref<1x64xf32, #tpu.memory_space<vmem>>, vector<1x64xf32>
    %add3A = vector.broadcast %get3A_10 : vector<1x64xf32> to vector<3200x64xf32>
    %add3A_11 = arith.addf %dot_general3A_7, %add3A : vector<3200x64xf32>
    %get3A_12 = arith.constant 0 : index
    %get3A_13 = arith.constant 0 : index
    %get3A_14 = vector.load %arg2[%get3A_12, %get3A_13] : memref<3200x128xf32, #tpu.memory_space<vmem>>, vector<3200x128xf32>
    %slice3A = vector.extract_strided_slice %get3A_14 {offsets = [0, 0], sizes = [3200, 64], strides = [1, 1]} : vector<3200x128xf32> to vector<3200x64xf32>
    %mul3A = arith.mulf %add3A_11, %slice3A : vector<3200x64xf32>
    %convert_element_type3A_15 = arith.truncf %mul3A : vector<3200x64xf32> to vector<3200x64xbf16>
    %get3A_16 = arith.constant 0 : index
    %get3A_17 = arith.constant 0 : index
    %get3A_18 = vector.load %arg8[%get3A_16, %get3A_17] : memref<64x32xbf16, #tpu.memory_space<vmem>>, vector<64x32xbf16>
    %dot_general3A_19 = arith.constant dense<0.000000e+00> : vector<3200x32xf32>
    %dot_general3A_20 = tpu.matmul %convert_element_type3A_15, %get3A_18, %dot_general3A_19 {dimension_numbers = #tpu.dot_dimension_numbers<[1], [0], [0], [1], [0, 0, 1, 1], [], []>, transpose_lhs_hint = false} : vector<3200x64xbf16>, vector<64x32xbf16>, vector<3200x32xf32> -> vector<3200x32xf32>
    %tanh3A = math.tanh %dot_general3A_20 : vector<3200x32xf32>
    %add3A_21 = arith.constant 120 : i32
    %add3A_22 = arith.addi %arg0, %add3A_21 : i32
    %get3A_23 = arith.index_cast %add3A_22 : i32 to index
    %get3A_24 = memref.load %arg4[%get3A_23] : memref<250xi32, #tpu.memory_space<smem>>
    %get3A_25 = arith.index_cast %add3A_22 : i32 to index
    %get3A_26 = memref.load %arg5[%get3A_25] : memref<250xi32, #tpu.memory_space<smem>>
    %get3A_27 = arith.constant 0 : index
    %get3A_28 = arith.constant 0 : index
    %get3A_29 = arith.constant 0 : index
    %get3A_30 = vector.load %arg3[%get3A_27, %get3A_28, %get3A_29] : memref<1x1x3200xi32, #tpu.memory_space<vmem>>, vector<1x1x3200xi32>
    %get3A_31 = vector.shape_cast %get3A_30 : vector<1x1x3200xi32> to vector<1x3200xi32>
    %convert_element_type3A_32 = arith.truncf %tanh3A : vector<3200x32xf32> to vector<3200x32xbf16>
    %iota3A = tpu.iota {dimensions = array<i32: 0>} : vector<256x3200xi32>
    %while3A = arith.constant 0 : i32
    %while3A_33 = arith.constant 0 : i32
    %while3A_34 = arith.subi %get3A_26, %while3A_33 : i32
    %while3A_35 = arith.addi %while3A_33, %while3A_34 : i32
    %while3A_36 = arith.constant 1 : i32
    %while3A_37 = arith.divsi %while3A_34, %while3A_36 : i32
    %while3A_38 = arith.muli %while3A_37, %while3A_36 : i32
    %while3A_39 = arith.addi %while3A_33, %while3A_38 : i32
    %while3A_40 = arith.constant 1 : i32
    scf.for %while3A_42 = %while3A_33 to %while3A_39 step %while3A_40  : i32 {
      %mul3A_43 = arith.constant 256 : i32
      %mul3A_44 = arith.muli %while3A_42, %mul3A_43 : i32
      %add3A_45 = arith.addi %get3A_24, %mul3A_44 : i32
      %sub3A = vector.broadcast %add3A_45 : i32 to vector<1x3200xi32>
      %sub3A_46 = arith.subi %get3A_31, %sub3A : vector<1x3200xi32>
      %eq3A_47 = vector.broadcast %sub3A_46 : vector<1x3200xi32> to vector<256x3200xi32>
      %eq3A_48 = arith.cmpi eq, %iota3A, %eq3A_47 : vector<256x3200xi32>
      %convert_element_type3A_49 = arith.extui %eq3A_48 : vector<256x3200xi1> to vector<256x3200xi32>
      %convert_element_type3A_50 = arith.sitofp %convert_element_type3A_49 : vector<256x3200xi32> to vector<256x3200xf32>
      %convert_element_type3A_51 = arith.truncf %convert_element_type3A_50 : vector<256x3200xf32> to vector<256x3200xbf16>
      %dot_general3A_52 = arith.constant dense<0.000000e+00> : vector<256x32xf32>
      %dot_general3A_53 = tpu.matmul %convert_element_type3A_51, %convert_element_type3A_32, %dot_general3A_52 {dimension_numbers = #tpu.dot_dimension_numbers<[1], [0], [0], [1], [0, 0, 1, 1], [], []>, transpose_lhs_hint = false} : vector<256x3200xbf16>, vector<3200x32xbf16>, vector<256x32xf32> -> vector<256x32xf32>
      %get3A_54 = arith.index_cast %add3A_45 : i32 to index
      %get3A_55 = arith.constant 0 : index
      %get3A_56 = vector.load %arg9[%get3A_54, %get3A_55] : memref<50256x32xf32, #tpu.memory_space<vmem>>, vector<256x32xf32>
      %add3A_57 = arith.addf %get3A_56, %dot_general3A_53 : vector<256x32xf32>
      %swap3A = arith.index_cast %add3A_45 : i32 to index
      %swap3A_58 = arith.constant 0 : index
      %swap3A_59 = vector.load %arg9[%swap3A, %swap3A_58] : memref<50256x32xf32, #tpu.memory_space<vmem>>, vector<256x32xf32>
      tpu.vector_store %arg9[%swap3A, %swap3A_58], %add3A_57 {strides = array<i32>} : memref<50256x32xf32, #tpu.memory_space<vmem>>, vector<256x32xf32>,
    }
    %while3A_41 = arith.constant 1 : i32
    scf.for %while3A_42 = %while3A_39 to %while3A_35 step %while3A_41  : i32 {
      %mul3A_43 = arith.constant 256 : i32
      %mul3A_44 = arith.muli %while3A_42, %mul3A_43 : i32
      %add3A_45 = arith.addi %get3A_24, %mul3A_44 : i32
      %sub3A = vector.broadcast %add3A_45 : i32 to vector<1x3200xi32>
      %sub3A_46 = arith.subi %get3A_31, %sub3A : vector<1x3200xi32>
      %eq3A_47 = vector.broadcast %sub3A_46 : vector<1x3200xi32> to vector<256x3200xi32>
      %eq3A_48 = arith.cmpi eq, %iota3A, %eq3A_47 : vector<256x3200xi32>
      %convert_element_type3A_49 = arith.extui %eq3A_48 : vector<256x3200xi1> to vector<256x3200xi32>
      %convert_element_type3A_50 = arith.sitofp %convert_element_type3A_49 : vector<256x3200xi32> to vector<256x3200xf32>
      %convert_element_type3A_51 = arith.truncf %convert_element_type3A_50 : vector<256x3200xf32> to vector<256x3200xbf16>
      %dot_general3A_52 = arith.constant dense<0.000000e+00> : vector<256x32xf32>
      %dot_general3A_53 = tpu.matmul %convert_element_type3A_51, %convert_element_type3A_32, %dot_general3A_52 {dimension_numbers = #tpu.dot_dimension_numbers<[1], [0], [0], [1], [0, 0, 1, 1], [], []>, transpose_lhs_hint = false} : vector<256x3200xbf16>, vector<3200x32xbf16>, vector<256x32xf32> -> vector<256x32xf32>
      %get3A_54 = arith.index_cast %add3A_45 : i32 to index
      %get3A_55 = arith.constant 0 : index
      %get3A_56 = vector.load %arg9[%get3A_54, %get3A_55] : memref<50256x32xf32, #tpu.memory_space<vmem>>, vector<256x32xf32>
      %add3A_57 = arith.addf %get3A_56, %dot_general3A_53 : vector<256x32xf32>
      %swap3A = arith.index_cast %add3A_45 : i32 to index
      %swap3A_58 = arith.constant 0 : index
      %swap3A_59 = vector.load %arg9[%swap3A, %swap3A_58] : memref<50256x32xf32, #tpu.memory_space<vmem>>, vector<256x32xf32>
      tpu.vector_store %arg9[%swap3A, %swap3A_58], %add3A_57 {strides = array<i32>} : memref<50256x32xf32, #tpu.memory_space<vmem>>, vector<256x32xf32>,
    }
    return
  }
  func.func @transform_0(%arg0: i32) -> (i32, i32) {
    %add3A = arith.constant 120 : i32
    %add3A_0 = arith.addi %arg0, %add3A : i32
    %c0_i32 = arith.constant 0 : i32
    %c0_i32_1 = arith.constant 0 : i32
    return %c0_i32, %add3A_0 : i32, i32
  }
  func.func @transform_1(%arg0: i32) -> (i32, i32) {
    %c0_i32 = arith.constant 0 : i32
    %c0_i32_0 = arith.constant 0 : i32
    return %arg0, %c0_i32 : i32, i32
  }
  func.func @transform_2(%arg0: i32) -> (i32, i32, i32) {
    %add3A = arith.constant 120 : i32
    %add3A_0 = arith.addi %arg0, %add3A : i32
    %c0_i32 = arith.constant 0 : i32
    %c0_i32_1 = arith.constant 0 : i32
    %c0_i32_2 = arith.constant 0 : i32
    return %add3A_0, %c0_i32, %c0_i32_1 : i32, i32, i32
  }
  func.func @transform_3(%arg0: i32) -> i32 {
    %c0_i32 = arith.constant 0 : i32
    %c0_i32_0 = arith.constant 0 : i32
    return %c0_i32 : i32
  }
  func.func @transform_4(%arg0: i32) -> i32 {
    %c0_i32 = arith.constant 0 : i32
    %c0_i32_0 = arith.constant 0 : i32
    return %c0_i32 : i32
  }
  func.func @transform_5(%arg0: i32) -> (i32, i32) {
    %c0_i32 = arith.constant 0 : i32
    %c0_i32_0 = arith.constant 0 : i32
    %c0_i32_1 = arith.constant 0 : i32
    return %c0_i32, %c0_i32_0 : i32, i32
  }
  func.func @transform_6(%arg0: i32) -> (i32, i32) {
    %c0_i32 = arith.constant 0 : i32
    %c0_i32_0 = arith.constant 0 : i32
    %c0_i32_1 = arith.constant 0 : i32
    return %c0_i32, %c0_i32_0 : i32, i32
  }
  func.func @transform_7(%arg0: i32) -> (i32, i32) {
    %c0_i32 = arith.constant 0 : i32
    %c0_i32_0 = arith.constant 0 : i32
    %c0_i32_1 = arith.constant 0 : i32
    return %c0_i32, %c0_i32_0 : i32, i32
  }
  func.func @transform_8(%arg0: i32) -> (i32, i32) {
    %c0_i32 = arith.constant 0 : i32
    %c0_i32_0 = arith.constant 0 : i32
    %c0_i32_1 = arith.constant 0 : i32
    return %c0_i32, %c0_i32_0 : i32, i32
  }
}

module attributes {stable_mosaic.version = 14 : i64} {
  func.func @_edge1_body(%arg0: i32, %arg1: memref<100x3200xbf16, #tpu.memory_space<vmem>>, %arg2: memref<3200x128xf32, #tpu.memory_space<vmem>>, %arg3: memref<1x1x3200xi32, #tpu.memory_space<vmem>>, %arg4: memref<250xi32, #tpu.memory_space<smem>>, %arg5: memref<250xi32, #tpu.memory_space<smem>>, %arg6: memref<100x64xbf16, #tpu.memory_space<vmem>>, %arg7: memref<1x64xf32, #tpu.memory_space<vmem>>, %arg8: memref<64x32xbf16, #tpu.memory_space<vmem>>, %arg9: memref<50256x32xf32, #tpu.memory_space<vmem>>) attributes {dimension_semantics = [#tpu.dimension_semantics<arbitrary>], iteration_bounds = array<i64: 120>, scalar_prefetch = 0 : i64, scratch_operands = 0 : i64, tpu.core_type = #tpu.core_type<tc>, window_params = [{transform_indices = @transform_0, window_bounds = array<i64: 100, 3200>}, {transform_indices = @transform_1, window_bounds = array<i64: 3200, 128>}, {transform_indices = @transform_2, window_bounds = array<i64: 1, 1, 3200>}, {transform_indices = @transform_3, window_bounds = array<i64: 250>}, {transform_indices = @transform_4, window_bounds = array<i64: 250>}, {pipeline_mode = #tpu.pipeline_mode<synchronous>, transform_indices = @transform_5, window_bounds = array<i64: 100, 64>}, {pipeline_mode = #tpu.pipeline_mode<synchronous>, transform_indices = @transform_6, window_bounds = array<i64: 1, 64>}, {pipeline_mode = #tpu.pipeline_mode<synchronous>, transform_indices = @transform_7, window_bounds = array<i64: 64, 32>}, {pipeline_mode = #tpu.pipeline_mode<synchronous>, transform_indices = @transform_8, window_bounds = array<i64: 50256, 32>}]} {
    %eq3A = arith.constant 0 : i32
    %eq3A_0 = arith.cmpi eq, %arg0, %eq3A : i32
    %convert_element_type3A = arith.extui %eq3A_0 : i1 to i32
    %cond3A = arith.constant 0 : i32
    %cond3A_1 = arith.cmpi ne, %convert_element_type3A, %cond3A : i32
    scf.if %cond3A_1 {
      %broadcast_in_dim3A = arith.constant 0.000000e+00 : f32
      %broadcast_in_dim3A_42 = vector.broadcast %broadcast_in_dim3A : f32 to vector<50256x32xf32>
      %swap3A = arith.constant 0 : index
      %swap3A_43 = arith.constant 0 : index
      %swap3A_44 = vector.load %arg9[%swap3A, %swap3A_43] : memref<50256x32xf32, #tpu.memory_space<vmem>>, vector<50256x32xf32>
      tpu.vector_store %arg9[%swap3A, %swap3A_43], %broadcast_in_dim3A_42 {strides = array<i32>} : memref<50256x32xf32, #tpu.memory_space<vmem>>, vector<50256x32xf32>,
    } else {
    }
    %get3A = arith.constant 0 : index
    %get3A_2 = arith.constant 0 : index
    %get3A_3 = vector.load %arg1[%get3A, %get3A_2] : memref<100x3200xbf16, #tpu.memory_space<vmem>>, vector<100x3200xbf16>
    %get3A_4 = arith.constant 0 : index
    %get3A_5 = arith.constant 0 : index
    %get3A_6 = vector.load %arg6[%get3A_4, %get3A_5] : memref<100x64xbf16, #tpu.memory_space<vmem>>, vector<100x64xbf16>
    %dot_general3A = arith.constant dense<0.000000e+00> : vector<3200x64xf32>
    %dot_general3A_7 = tpu.matmul %get3A_3, %get3A_6, %dot_general3A {dimension_numbers = #tpu.dot_dimension_numbers<[0], [0], [1], [1], [0, 1, 1, 1], [], []>, transpose_lhs_hint = false} : vector<100x3200xbf16>, vector<100x64xbf16>, vector<3200x64xf32> -> vector<3200x64xf32>
    %get3A_8 = arith.constant 0 : index
    %get3A_9 = arith.constant 0 : index
    %get3A_10 = vector.load %arg7[%get3A_8, %get3A_9] : memref<1x64xf32, #tpu.memory_space<vmem>>, vector<1x64xf32>
    %add3A = vector.broadcast %get3A_10 : vector<1x64xf32> to vector<3200x64xf32>
    %add3A_11 = arith.addf %dot_general3A_7, %add3A : vector<3200x64xf32>
    %get3A_12 = arith.constant 0 : index
    %get3A_13 = arith.constant 0 : index
    %get3A_14 = vector.load %arg2[%get3A_12, %get3A_13] : memref<3200x128xf32, #tpu.memory_space<vmem>>, vector<3200x128xf32>
    %slice3A = vector.extract_strided_slice %get3A_14 {offsets = [0, 0], sizes = [3200, 64], strides = [1, 1]} : vector<3200x128xf32> to vector<3200x64xf32>
    %mul3A = arith.mulf %add3A_11, %slice3A : vector<3200x64xf32>
    %convert_element_type3A_15 = arith.truncf %mul3A : vector<3200x64xf32> to vector<3200x64xbf16>
    %get3A_16 = arith.constant 0 : index
    %get3A_17 = arith.constant 0 : index
    %get3A_18 = vector.load %arg8[%get3A_16, %get3A_17] : memref<64x32xbf16, #tpu.memory_space<vmem>>, vector<64x32xbf16>
    %dot_general3A_19 = arith.constant dense<0.000000e+00> : vector<3200x32xf32>
    %dot_general3A_20 = tpu.matmul %convert_element_type3A_15, %get3A_18, %dot_general3A_19 {dimension_numbers = #tpu.dot_dimension_numbers<[1], [0], [0], [1], [0, 0, 1, 1], [], []>, transpose_lhs_hint = false} : vector<3200x64xbf16>, vector<64x32xbf16>, vector<3200x32xf32> -> vector<3200x32xf32>
    %tanh3A = math.tanh %dot_general3A_20 : vector<3200x32xf32>
    %add3A_21 = arith.constant 0 : i32
    %add3A_22 = arith.addi %arg0, %add3A_21 : i32
    %get3A_23 = arith.index_cast %add3A_22 : i32 to index
    %get3A_24 = memref.load %arg4[%get3A_23] : memref<250xi32, #tpu.memory_space<smem>>
    %get3A_25 = arith.index_cast %add3A_22 : i32 to index
    %get3A_26 = memref.load %arg5[%get3A_25] : memref<250xi32, #tpu.memory_space<smem>>
    %get3A_27 = arith.constant 0 : index
    %get3A_28 = arith.constant 0 : index
    %get3A_29 = arith.constant 0 : index
    %get3A_30 = vector.load %arg3[%get3A_27, %get3A_28, %get3A_29] : memref<1x1x3200xi32, #tpu.memory_space<vmem>>, vector<1x1x3200xi32>
    %get3A_31 = vector.shape_cast %get3A_30 : vector<1x1x3200xi32> to vector<1x3200xi32>
    %convert_element_type3A_32 = arith.truncf %tanh3A : vector<3200x32xf32> to vector<3200x32xbf16>
    %iota3A = tpu.iota {dimensions = array<i32: 0>} : vector<256x3200xi32>
    %while3A = arith.constant 0 : i32
    %while3A_33 = arith.constant 0 : i32
    %while3A_34 = arith.subi %get3A_26, %while3A_33 : i32
    %while3A_35 = arith.addi %while3A_33, %while3A_34 : i32
    %while3A_36 = arith.constant 1 : i32
    %while3A_37 = arith.divsi %while3A_34, %while3A_36 : i32
    %while3A_38 = arith.muli %while3A_37, %while3A_36 : i32
    %while3A_39 = arith.addi %while3A_33, %while3A_38 : i32
    %while3A_40 = arith.constant 1 : i32
    scf.for %while3A_42 = %while3A_33 to %while3A_39 step %while3A_40  : i32 {
      %mul3A_43 = arith.constant 256 : i32
      %mul3A_44 = arith.muli %while3A_42, %mul3A_43 : i32
      %add3A_45 = arith.addi %get3A_24, %mul3A_44 : i32
      %sub3A = vector.broadcast %add3A_45 : i32 to vector<1x3200xi32>
      %sub3A_46 = arith.subi %get3A_31, %sub3A : vector<1x3200xi32>
      %eq3A_47 = vector.broadcast %sub3A_46 : vector<1x3200xi32> to vector<256x3200xi32>
      %eq3A_48 = arith.cmpi eq, %iota3A, %eq3A_47 : vector<256x3200xi32>
      %convert_element_type3A_49 = arith.extui %eq3A_48 : vector<256x3200xi1> to vector<256x3200xi32>
      %convert_element_type3A_50 = arith.sitofp %convert_element_type3A_49 : vector<256x3200xi32> to vector<256x3200xf32>
      %convert_element_type3A_51 = arith.truncf %convert_element_type3A_50 : vector<256x3200xf32> to vector<256x3200xbf16>
      %dot_general3A_52 = arith.constant dense<0.000000e+00> : vector<256x32xf32>
      %dot_general3A_53 = tpu.matmul %convert_element_type3A_51, %convert_element_type3A_32, %dot_general3A_52 {dimension_numbers = #tpu.dot_dimension_numbers<[1], [0], [0], [1], [0, 0, 1, 1], [], []>, transpose_lhs_hint = false} : vector<256x3200xbf16>, vector<3200x32xbf16>, vector<256x32xf32> -> vector<256x32xf32>
      %get3A_54 = arith.index_cast %add3A_45 : i32 to index
      %get3A_55 = arith.constant 0 : index
      %get3A_56 = vector.load %arg9[%get3A_54, %get3A_55] : memref<50256x32xf32, #tpu.memory_space<vmem>>, vector<256x32xf32>
      %add3A_57 = arith.addf %get3A_56, %dot_general3A_53 : vector<256x32xf32>
      %swap3A = arith.index_cast %add3A_45 : i32 to index
      %swap3A_58 = arith.constant 0 : index
      %swap3A_59 = vector.load %arg9[%swap3A, %swap3A_58] : memref<50256x32xf32, #tpu.memory_space<vmem>>, vector<256x32xf32>
      tpu.vector_store %arg9[%swap3A, %swap3A_58], %add3A_57 {strides = array<i32>} : memref<50256x32xf32, #tpu.memory_space<vmem>>, vector<256x32xf32>,
    }
    %while3A_41 = arith.constant 1 : i32
    scf.for %while3A_42 = %while3A_39 to %while3A_35 step %while3A_41  : i32 {
      %mul3A_43 = arith.constant 256 : i32
      %mul3A_44 = arith.muli %while3A_42, %mul3A_43 : i32
      %add3A_45 = arith.addi %get3A_24, %mul3A_44 : i32
      %sub3A = vector.broadcast %add3A_45 : i32 to vector<1x3200xi32>
      %sub3A_46 = arith.subi %get3A_31, %sub3A : vector<1x3200xi32>
      %eq3A_47 = vector.broadcast %sub3A_46 : vector<1x3200xi32> to vector<256x3200xi32>
      %eq3A_48 = arith.cmpi eq, %iota3A, %eq3A_47 : vector<256x3200xi32>
      %convert_element_type3A_49 = arith.extui %eq3A_48 : vector<256x3200xi1> to vector<256x3200xi32>
      %convert_element_type3A_50 = arith.sitofp %convert_element_type3A_49 : vector<256x3200xi32> to vector<256x3200xf32>
      %convert_element_type3A_51 = arith.truncf %convert_element_type3A_50 : vector<256x3200xf32> to vector<256x3200xbf16>
      %dot_general3A_52 = arith.constant dense<0.000000e+00> : vector<256x32xf32>
      %dot_general3A_53 = tpu.matmul %convert_element_type3A_51, %convert_element_type3A_32, %dot_general3A_52 {dimension_numbers = #tpu.dot_dimension_numbers<[1], [0], [0], [1], [0, 0, 1, 1], [], []>, transpose_lhs_hint = false} : vector<256x3200xbf16>, vector<3200x32xbf16>, vector<256x32xf32> -> vector<256x32xf32>
      %get3A_54 = arith.index_cast %add3A_45 : i32 to index
      %get3A_55 = arith.constant 0 : index
      %get3A_56 = vector.load %arg9[%get3A_54, %get3A_55] : memref<50256x32xf32, #tpu.memory_space<vmem>>, vector<256x32xf32>
      %add3A_57 = arith.addf %get3A_56, %dot_general3A_53 : vector<256x32xf32>
      %swap3A = arith.index_cast %add3A_45 : i32 to index
      %swap3A_58 = arith.constant 0 : index
      %swap3A_59 = vector.load %arg9[%swap3A, %swap3A_58] : memref<50256x32xf32, #tpu.memory_space<vmem>>, vector<256x32xf32>
      tpu.vector_store %arg9[%swap3A, %swap3A_58], %add3A_57 {strides = array<i32>} : memref<50256x32xf32, #tpu.memory_space<vmem>>, vector<256x32xf32>,
    }
    return
  }
  func.func @transform_0(%arg0: i32) -> (i32, i32) {
    %add3A = arith.constant 0 : i32
    %add3A_0 = arith.addi %arg0, %add3A : i32
    %c0_i32 = arith.constant 0 : i32
    %c0_i32_1 = arith.constant 0 : i32
    return %c0_i32, %add3A_0 : i32, i32
  }
  func.func @transform_1(%arg0: i32) -> (i32, i32) {
    %c0_i32 = arith.constant 0 : i32
    %c0_i32_0 = arith.constant 0 : i32
    return %arg0, %c0_i32 : i32, i32
  }
  func.func @transform_2(%arg0: i32) -> (i32, i32, i32) {
    %add3A = arith.constant 0 : i32
    %add3A_0 = arith.addi %arg0, %add3A : i32
    %c0_i32 = arith.constant 0 : i32
    %c0_i32_1 = arith.constant 0 : i32
    %c0_i32_2 = arith.constant 0 : i32
    return %add3A_0, %c0_i32, %c0_i32_1 : i32, i32, i32
  }
  func.func @transform_3(%arg0: i32) -> i32 {
    %c0_i32 = arith.constant 0 : i32
    %c0_i32_0 = arith.constant 0 : i32
    return %c0_i32 : i32
  }
  func.func @transform_4(%arg0: i32) -> i32 {
    %c0_i32 = arith.constant 0 : i32
    %c0_i32_0 = arith.constant 0 : i32
    return %c0_i32 : i32
  }
  func.func @transform_5(%arg0: i32) -> (i32, i32) {
    %c0_i32 = arith.constant 0 : i32
    %c0_i32_0 = arith.constant 0 : i32
    %c0_i32_1 = arith.constant 0 : i32
    return %c0_i32, %c0_i32_0 : i32, i32
  }
  func.func @transform_6(%arg0: i32) -> (i32, i32) {
    %c0_i32 = arith.constant 0 : i32
    %c0_i32_0 = arith.constant 0 : i32
    %c0_i32_1 = arith.constant 0 : i32
    return %c0_i32, %c0_i32_0 : i32, i32
  }
  func.func @transform_7(%arg0: i32) -> (i32, i32) {
    %c0_i32 = arith.constant 0 : i32
    %c0_i32_0 = arith.constant 0 : i32
    %c0_i32_1 = arith.constant 0 : i32
    return %c0_i32, %c0_i32_0 : i32, i32
  }
  func.func @transform_8(%arg0: i32) -> (i32, i32) {
    %c0_i32 = arith.constant 0 : i32
    %c0_i32_0 = arith.constant 0 : i32
    %c0_i32_1 = arith.constant 0 : i32
    return %c0_i32, %c0_i32_0 : i32, i32
  }
}

module attributes {stable_mosaic.version = 14 : i64} {
  func.func @_final_body(%arg0: i32, %arg1: memref<5000x32xf32, #tpu.memory_space<vmem>>, %arg2: memref<5000x32xf32, #tpu.memory_space<vmem>>, %arg3: memref<1x1x5000xi32, #tpu.memory_space<vmem>>, %arg4: memref<10xi32, #tpu.memory_space<smem>>, %arg5: memref<10xi32, #tpu.memory_space<smem>>, %arg6: memref<32x128xf32, #tpu.memory_space<vmem>>, %arg7: memref<1x128xf32, #tpu.memory_space<vmem>>, %arg8: memref<128x16xf32, #tpu.memory_space<vmem>>, %arg9: memref<1x16xf32, #tpu.memory_space<vmem>>, %arg10: memref<16x16xf32, #tpu.memory_space<vmem>>, %arg11: memref<1x16xf32, #tpu.memory_space<vmem>>, %arg12: memref<2632x16xf32, #tpu.memory_space<vmem>>) attributes {dimension_semantics = [#tpu.dimension_semantics<arbitrary>], iteration_bounds = array<i64: 10>, scalar_prefetch = 0 : i64, scratch_operands = 0 : i64, tpu.core_type = #tpu.core_type<tc>, window_params = [{transform_indices = @transform_0, window_bounds = array<i64: 5000, 32>}, {transform_indices = @transform_1, window_bounds = array<i64: 5000, 32>}, {transform_indices = @transform_2, window_bounds = array<i64: 1, 1, 5000>}, {transform_indices = @transform_3, window_bounds = array<i64: 10>}, {transform_indices = @transform_4, window_bounds = array<i64: 10>}, {pipeline_mode = #tpu.pipeline_mode<synchronous>, transform_indices = @transform_5, window_bounds = array<i64: 32, 128>}, {pipeline_mode = #tpu.pipeline_mode<synchronous>, transform_indices = @transform_6, window_bounds = array<i64: 1, 128>}, {pipeline_mode = #tpu.pipeline_mode<synchronous>, transform_indices = @transform_7, window_bounds = array<i64: 128, 16>}, {pipeline_mode = #tpu.pipeline_mode<synchronous>, transform_indices = @transform_8, window_bounds = array<i64: 1, 16>}, {pipeline_mode = #tpu.pipeline_mode<synchronous>, transform_indices = @transform_9, window_bounds = array<i64: 16, 16>}, {pipeline_mode = #tpu.pipeline_mode<synchronous>, transform_indices = @transform_10, window_bounds = array<i64: 1, 16>}, {pipeline_mode = #tpu.pipeline_mode<synchronous>, transform_indices = @transform_11, window_bounds = array<i64: 2632, 16>}]} {
    %eq3A = arith.constant 0 : i32
    %eq3A_0 = arith.cmpi eq, %arg0, %eq3A : i32
    %convert_element_type3A = arith.extui %eq3A_0 : i1 to i32
    %cond3A = arith.constant 0 : i32
    %cond3A_1 = arith.cmpi ne, %convert_element_type3A, %cond3A : i32
    scf.if %cond3A_1 {
      %broadcast_in_dim3A = arith.constant 0.000000e+00 : f32
      %broadcast_in_dim3A_55 = vector.broadcast %broadcast_in_dim3A : f32 to vector<2632x16xf32>
      %swap3A = arith.constant 0 : index
      %swap3A_56 = arith.constant 0 : index
      %swap3A_57 = vector.load %arg12[%swap3A, %swap3A_56] : memref<2632x16xf32, #tpu.memory_space<vmem>>, vector<2632x16xf32>
      tpu.vector_store %arg12[%swap3A, %swap3A_56], %broadcast_in_dim3A_55 {strides = array<i32>} : memref<2632x16xf32, #tpu.memory_space<vmem>>, vector<2632x16xf32>,
    } else {
    }
    %get3A = arith.constant 0 : index
    %get3A_2 = arith.constant 0 : index
    %get3A_3 = vector.load %arg1[%get3A, %get3A_2] : memref<5000x32xf32, #tpu.memory_space<vmem>>, vector<5000x32xf32>
    %get3A_4 = arith.constant 0 : index
    %get3A_5 = arith.constant 0 : index
    %get3A_6 = vector.load %arg2[%get3A_4, %get3A_5] : memref<5000x32xf32, #tpu.memory_space<vmem>>, vector<5000x32xf32>
    %add3A = arith.addf %get3A_3, %get3A_6 : vector<5000x32xf32>
    %get3A_7 = arith.constant 0 : index
    %get3A_8 = arith.constant 0 : index
    %get3A_9 = vector.load %arg6[%get3A_7, %get3A_8] : memref<32x128xf32, #tpu.memory_space<vmem>>, vector<32x128xf32>
    %dot_general3A = arith.constant dense<0.000000e+00> : vector<5000x128xf32>
    %dot_general3A_10 = tpu.matmul %add3A, %get3A_9, %dot_general3A {dimension_numbers = #tpu.dot_dimension_numbers<[1], [0], [0], [1], [0, 0, 1, 1], [], []>, transpose_lhs_hint = false} : vector<5000x32xf32>, vector<32x128xf32>, vector<5000x128xf32> -> vector<5000x128xf32>
    %get3A_11 = arith.constant 0 : index
    %get3A_12 = arith.constant 0 : index
    %get3A_13 = vector.load %arg7[%get3A_11, %get3A_12] : memref<1x128xf32, #tpu.memory_space<vmem>>, vector<1x128xf32>
    %add3A_14 = vector.broadcast %get3A_13 : vector<1x128xf32> to vector<5000x128xf32>
    %add3A_15 = arith.addf %dot_general3A_10, %add3A_14 : vector<5000x128xf32>
    %tanh3A = math.tanh %add3A_15 : vector<5000x128xf32>
    %get3A_16 = arith.constant 0 : index
    %get3A_17 = arith.constant 0 : index
    %get3A_18 = vector.load %arg8[%get3A_16, %get3A_17] : memref<128x16xf32, #tpu.memory_space<vmem>>, vector<128x16xf32>
    %dot_general3A_19 = arith.constant dense<0.000000e+00> : vector<5000x16xf32>
    %dot_general3A_20 = tpu.matmul %tanh3A, %get3A_18, %dot_general3A_19 {dimension_numbers = #tpu.dot_dimension_numbers<[1], [0], [0], [1], [0, 0, 1, 1], [], []>, transpose_lhs_hint = false} : vector<5000x128xf32>, vector<128x16xf32>, vector<5000x16xf32> -> vector<5000x16xf32>
    %get3A_21 = arith.constant 0 : index
    %get3A_22 = arith.constant 0 : index
    %get3A_23 = vector.load %arg9[%get3A_21, %get3A_22] : memref<1x16xf32, #tpu.memory_space<vmem>>, vector<1x16xf32>
    %add3A_24 = vector.broadcast %get3A_23 : vector<1x16xf32> to vector<5000x16xf32>
    %add3A_25 = arith.addf %dot_general3A_20, %add3A_24 : vector<5000x16xf32>
    %tanh3A_26 = math.tanh %add3A_25 : vector<5000x16xf32>
    %get3A_27 = arith.constant 0 : index
    %get3A_28 = arith.constant 0 : index
    %get3A_29 = vector.load %arg10[%get3A_27, %get3A_28] : memref<16x16xf32, #tpu.memory_space<vmem>>, vector<16x16xf32>
    %dot_general3A_30 = arith.constant dense<0.000000e+00> : vector<5000x16xf32>
    %dot_general3A_31 = tpu.matmul %tanh3A_26, %get3A_29, %dot_general3A_30 {dimension_numbers = #tpu.dot_dimension_numbers<[1], [0], [0], [1], [0, 0, 1, 1], [], []>, transpose_lhs_hint = false} : vector<5000x16xf32>, vector<16x16xf32>, vector<5000x16xf32> -> vector<5000x16xf32>
    %get3A_32 = arith.index_cast %arg0 : i32 to index
    %get3A_33 = memref.load %arg4[%get3A_32] : memref<10xi32, #tpu.memory_space<smem>>
    %get3A_34 = arith.index_cast %arg0 : i32 to index
    %get3A_35 = memref.load %arg5[%get3A_34] : memref<10xi32, #tpu.memory_space<smem>>
    %get3A_36 = arith.constant 0 : index
    %get3A_37 = arith.constant 0 : index
    %get3A_38 = arith.constant 0 : index
    %get3A_39 = vector.load %arg3[%get3A_36, %get3A_37, %get3A_38] : memref<1x1x5000xi32, #tpu.memory_space<vmem>>, vector<1x1x5000xi32>
    %get3A_40 = vector.shape_cast %get3A_39 : vector<1x1x5000xi32> to vector<1x5000xi32>
    %iota3A = tpu.iota {dimensions = array<i32: 0>} : vector<128x5000xi32>
    %while3A = arith.constant 0 : i32
    %while3A_41 = arith.constant 0 : i32
    %while3A_42 = arith.subi %get3A_35, %while3A_41 : i32
    %while3A_43 = arith.addi %while3A_41, %while3A_42 : i32
    %while3A_44 = arith.constant 1 : i32
    %while3A_45 = arith.divsi %while3A_42, %while3A_44 : i32
    %while3A_46 = arith.muli %while3A_45, %while3A_44 : i32
    %while3A_47 = arith.addi %while3A_41, %while3A_46 : i32
    %while3A_48 = arith.constant 1 : i32
    scf.for %while3A_55 = %while3A_41 to %while3A_47 step %while3A_48  : i32 {
      %mul3A = arith.constant 128 : i32
      %mul3A_56 = arith.muli %while3A_55, %mul3A : i32
      %add3A_57 = arith.addi %get3A_33, %mul3A_56 : i32
      %sub3A = vector.broadcast %add3A_57 : i32 to vector<1x5000xi32>
      %sub3A_58 = arith.subi %get3A_40, %sub3A : vector<1x5000xi32>
      %eq3A_59 = vector.broadcast %sub3A_58 : vector<1x5000xi32> to vector<128x5000xi32>
      %eq3A_60 = arith.cmpi eq, %iota3A, %eq3A_59 : vector<128x5000xi32>
      %convert_element_type3A_61 = arith.extui %eq3A_60 : vector<128x5000xi1> to vector<128x5000xi32>
      %convert_element_type3A_62 = arith.sitofp %convert_element_type3A_61 : vector<128x5000xi32> to vector<128x5000xf32>
      %dot_general3A_63 = arith.constant dense<0.000000e+00> : vector<128x16xf32>
      %dot_general3A_64 = tpu.matmul %convert_element_type3A_62, %dot_general3A_31, %dot_general3A_63 {dimension_numbers = #tpu.dot_dimension_numbers<[1], [0], [0], [1], [0, 0, 1, 1], [], []>, transpose_lhs_hint = false} : vector<128x5000xf32>, vector<5000x16xf32>, vector<128x16xf32> -> vector<128x16xf32>
      %get3A_65 = arith.index_cast %add3A_57 : i32 to index
      %get3A_66 = arith.constant 0 : index
      %get3A_67 = vector.load %arg12[%get3A_65, %get3A_66] : memref<2632x16xf32, #tpu.memory_space<vmem>>, vector<128x16xf32>
      %add3A_68 = arith.addf %get3A_67, %dot_general3A_64 : vector<128x16xf32>
      %swap3A = arith.index_cast %add3A_57 : i32 to index
      %swap3A_69 = arith.constant 0 : index
      %swap3A_70 = vector.load %arg12[%swap3A, %swap3A_69] : memref<2632x16xf32, #tpu.memory_space<vmem>>, vector<128x16xf32>
      tpu.vector_store %arg12[%swap3A, %swap3A_69], %add3A_68 {strides = array<i32>} : memref<2632x16xf32, #tpu.memory_space<vmem>>, vector<128x16xf32>,
    }
    %while3A_49 = arith.constant 1 : i32
    scf.for %while3A_55 = %while3A_47 to %while3A_43 step %while3A_49  : i32 {
      %mul3A = arith.constant 128 : i32
      %mul3A_56 = arith.muli %while3A_55, %mul3A : i32
      %add3A_57 = arith.addi %get3A_33, %mul3A_56 : i32
      %sub3A = vector.broadcast %add3A_57 : i32 to vector<1x5000xi32>
      %sub3A_58 = arith.subi %get3A_40, %sub3A : vector<1x5000xi32>
      %eq3A_59 = vector.broadcast %sub3A_58 : vector<1x5000xi32> to vector<128x5000xi32>
      %eq3A_60 = arith.cmpi eq, %iota3A, %eq3A_59 : vector<128x5000xi32>
      %convert_element_type3A_61 = arith.extui %eq3A_60 : vector<128x5000xi1> to vector<128x5000xi32>
      %convert_element_type3A_62 = arith.sitofp %convert_element_type3A_61 : vector<128x5000xi32> to vector<128x5000xf32>
      %dot_general3A_63 = arith.constant dense<0.000000e+00> : vector<128x16xf32>
      %dot_general3A_64 = tpu.matmul %convert_element_type3A_62, %dot_general3A_31, %dot_general3A_63 {dimension_numbers = #tpu.dot_dimension_numbers<[1], [0], [0], [1], [0, 0, 1, 1], [], []>, transpose_lhs_hint = false} : vector<128x5000xf32>, vector<5000x16xf32>, vector<128x16xf32> -> vector<128x16xf32>
      %get3A_65 = arith.index_cast %add3A_57 : i32 to index
      %get3A_66 = arith.constant 0 : index
      %get3A_67 = vector.load %arg12[%get3A_65, %get3A_66] : memref<2632x16xf32, #tpu.memory_space<vmem>>, vector<128x16xf32>
      %add3A_68 = arith.addf %get3A_67, %dot_general3A_64 : vector<128x16xf32>
      %swap3A = arith.index_cast %add3A_57 : i32 to index
      %swap3A_69 = arith.constant 0 : index
      %swap3A_70 = vector.load %arg12[%swap3A, %swap3A_69] : memref<2632x16xf32, #tpu.memory_space<vmem>>, vector<128x16xf32>
      tpu.vector_store %arg12[%swap3A, %swap3A_69], %add3A_68 {strides = array<i32>} : memref<2632x16xf32, #tpu.memory_space<vmem>>, vector<128x16xf32>,
    }
    %eq3A_50 = arith.constant 9 : i32
    %eq3A_51 = arith.cmpi eq, %arg0, %eq3A_50 : i32
    %convert_element_type3A_52 = arith.extui %eq3A_51 : i1 to i32
    %cond3A_53 = arith.constant 0 : i32
    %cond3A_54 = arith.cmpi ne, %convert_element_type3A_52, %cond3A_53 : i32
    scf.if %cond3A_54 {
      %get3A_55 = arith.constant 0 : index
      %get3A_56 = arith.constant 0 : index
      %get3A_57 = vector.load %arg12[%get3A_55, %get3A_56] : memref<2632x16xf32, #tpu.memory_space<vmem>>, vector<2632x16xf32>
      %get3A_58 = arith.constant 0 : index
      %get3A_59 = arith.constant 0 : index
      %get3A_60 = vector.load %arg11[%get3A_58, %get3A_59] : memref<1x16xf32, #tpu.memory_space<vmem>>, vector<1x16xf32>
      %add3A_61 = vector.broadcast %get3A_60 : vector<1x16xf32> to vector<2632x16xf32>
      %add3A_62 = arith.addf %get3A_57, %add3A_61 : vector<2632x16xf32>
      %swap3A = arith.constant 0 : index
      %swap3A_63 = arith.constant 0 : index
      %swap3A_64 = vector.load %arg12[%swap3A, %swap3A_63] : memref<2632x16xf32, #tpu.memory_space<vmem>>, vector<2632x16xf32>
      tpu.vector_store %arg12[%swap3A, %swap3A_63], %add3A_62 {strides = array<i32>} : memref<2632x16xf32, #tpu.memory_space<vmem>>, vector<2632x16xf32>,
    } else {
    }
    return
  }
  func.func @transform_0(%arg0: i32) -> (i32, i32) {
    %c0_i32 = arith.constant 0 : i32
    %c0_i32_0 = arith.constant 0 : i32
    return %arg0, %c0_i32 : i32, i32
  }
  func.func @transform_1(%arg0: i32) -> (i32, i32) {
    %c0_i32 = arith.constant 0 : i32
    %c0_i32_0 = arith.constant 0 : i32
    return %arg0, %c0_i32 : i32, i32
  }
  func.func @transform_2(%arg0: i32) -> (i32, i32, i32) {
    %c0_i32 = arith.constant 0 : i32
    %c0_i32_0 = arith.constant 0 : i32
    %c0_i32_1 = arith.constant 0 : i32
    return %arg0, %c0_i32, %c0_i32_0 : i32, i32, i32
  }
  func.func @transform_3(%arg0: i32) -> i32 {
    %c0_i32 = arith.constant 0 : i32
    %c0_i32_0 = arith.constant 0 : i32
    return %c0_i32 : i32
  }
  func.func @transform_4(%arg0: i32) -> i32 {
    %c0_i32 = arith.constant 0 : i32
    %c0_i32_0 = arith.constant 0 : i32
    return %c0_i32 : i32
  }
  func.func @transform_5(%arg0: i32) -> (i32, i32) {
    %c0_i32 = arith.constant 0 : i32
    %c0_i32_0 = arith.constant 0 : i32
    %c0_i32_1 = arith.constant 0 : i32
    return %c0_i32, %c0_i32_0 : i32, i32
  }
  func.func @transform_6(%arg0: i32) -> (i32, i32) {
    %c0_i32 = arith.constant 0 : i32
    %c0_i32_0 = arith.constant 0 : i32
    %c0_i32_1 = arith.constant 0 : i32
    return %c0_i32, %c0_i32_0 : i32, i32
  }
  func.func @transform_7(%arg0: i32) -> (i32, i32) {
    %c0_i32 = arith.constant 0 : i32
    %c0_i32_0 = arith.constant 0 : i32
    %c0_i32_1 = arith.constant 0 : i32
    return %c0_i32, %c0_i32_0 : i32, i32
  }
  func.func @transform_8(%arg0: i32) -> (i32, i32) {
    %c0_i32 = arith.constant 0 : i32
    %c0_i32_0 = arith.constant 0 : i32
    %c0_i32_1 = arith.constant 0 : i32
    return %c0_i32, %c0_i32_0 : i32, i32
  }
  func.func @transform_9(%arg0: i32) -> (i32, i32) {
    %c0_i32 = arith.constant 0 : i32
    %c0_i32_0 = arith.constant 0 : i32
    %c0_i32_1 = arith.constant 0 : i32
    return %c0_i32, %c0_i32_0 : i32, i32
  }
  func.func @transform_10(%arg0: i32) -> (i32, i32) {
    %c0_i32 = arith.constant 0 : i32
    %c0_i32_0 = arith.constant 0 : i32
    %c0_i32_1 = arith.constant 0 : i32
    return %c0_i32, %c0_i32_0 : i32, i32
  }
  func.func @transform_11(%arg0: i32) -> (i32, i32) {
    %c0_i32 = arith.constant 0 : i32
    %c0_i32_0 = arith.constant 0 : i32
    %c0_i32_1 = arith.constant 0 : i32
    return %c0_i32, %c0_i32_0 : i32, i32
  }
}

</mosaic_0001>

<sc_bundles>
// kernel: kernel.10.cloned.1.call-start
scs
__scs_entry_jumppad:
0x0: {  	(pc) =	sbr.rel $0x88, $3  }
0x1: {  	(tag) =	ssettag $0x0;
	lr =	simm.s32 $0x1  }
0x2: {  	[smem:$0x3F8B] =	sst lr;
	_ =	strace $0xD0000000  }
0x3: {  	_ = 	snop  }
0x4: {  	_ = 	snop  }
0x5: {  	_ = 	snop  }
0x6: {  	_ = 	snop  }
0x7: {  	_ = 	snop  }
__scs_overlays_trampoline_lowered:
0x8: {  	[smem:$0x3F9A] =	sst s0  }
0x9: {  	[smem:$0x3F9B] =	sst s1  }
0xa: {  	[smem:$0x3F9C] =	sst s2  }
0xb: {  	[smem:$0x3F9D] =	sst s3  }
0xc: {  	[smem:$0x3F9E] =	sst s4  }
0xd: {  	[smem:$0x3F9F] =	sst s5  }
0xe: {  	[smem:$0x3FA0] =	sst s6  }
0xf: {  	[smem:$0x3FA1] =	sst s7  }
0x10: {  	[smem:$0x3FA2] =	sst s8  }
0x11: {  	[smem:$0x3FA3] =	sst s9;
	s0 =	simm.s32 @!p0 $0x0  }
0x12: {  	s1 =	sld [smem:$0x3F89];
	s0 =	simm.s32 @p0 $0x1  }
0x13: {  	[smem:$0x3FA4] =	sst s0;
	s0 =	simm.s32 @!p1 $0x0  }
0x14: {  	s2 =	sld [smem:$0x3F88];
	s0 =	simm.s32 @p1 $0x1  }
0x15: {  	[smem:$0x3FA5] =	sst s0;
	s0 =	simm.s32 @!p2 $0x0  }
0x16: {  	s3 =	sld [smem:$0x3FDB];
	s0 =	simm.s32 @p2 $0x1  }
0x17: {  	s4 =	simm.s32 $0x1BF5;
	[smem:$0x3FA7] =	sst s0  }
0x18: {  	s0 =	sld [smem:$0x3F8A];
	_ =	swait.ge [sflag:s4], $0x0  }
0x19: {  	s7 =	sld [smem:$0x3F8B]  }
0x1a: {  	s8 =	sadd.s32 $0xFFFFE003, lr  }
0x1b: {  	s9 =	sadd.s32 $0xFFFFFEF7, lr;
	s5 =	simm.s32 $0xFFFFFFFF;
	p2 =	slt.u32 s8, $0xFFFFF086  }
0x1c: {  	p1 =	slt.u32 s9, $0xF7A;
	s5 =	simm.s32 @!p2 $0x0  }
0x1d: {  	s5 =	simm.s32 @p1 $0x1;
	p0 =	seq.s32 s7, s2  }
0x1e: {  	s7 =	smul.u32 @!p0 $0xF7A, s2;
	p2 =	seq.s32 @!p0 s5, $0x0  }
0x1f: {  	s9 =	smul.u32 $0xF7A, s1;
	s8 =	simm.s32 @!p0 $0x1BF5;
	p2 =	por !p2, p0  }
0x20: {  	[sflag:s8] =	ssyncset.s32 @!p0 $0xFFFFF086;
	s6 =	sadd.s32 @!p0 s3, s7;
	s7 =	simm.s32 @!p0 $0x108  }
0x21: {  	s3 =	sadd.s32 s3, s9;
	s6 =	sadd.s32 @!p0 $0x88, s6;
	s7 =	simm.s32 @p2 $0x1082  }
0x22: {  	[simem:s7], [sflag:s8] =	dma.local @!p0 [hbm:s6], $0xF7A  }
0x23: {  	s9 =	sor.u32 $0xD0000000, s2;
	s6 =	simm.s32 $0x108;
	_ =	swait.ge @!p0 [sflag:s8], $0x0  }
0x24: {  	s3 =	sadd.s32 $0x88, s3;
	s6 =	simm.s32 @!p1 $0x1082;
	[sflag:s4] =	ssyncset.s32 $0xFFFFF086  }
0x25: {  	[simem:s6], [sflag:s4] =	dma.local [hbm:s3], $0xF7A  }
0x26: {  	[smem:$0x3F8B] =	sst s1;
	(tag) =	ssettag s2;
	_ =	strace s9  }
0x27: {  	s1 =	sld [smem:$0x3F9B]  }
0x28: {  	s2 =	sld [smem:$0x3F9C]  }
0x29: {  	s4 =	sld [smem:$0x3F9E]  }
0x2a: {  	p0 =	seq.s32 s5, $0x0;
	s5 =	sld [smem:$0x3F9F]  }
0x2b: {  	s6 =	sld [smem:$0x3FA0]  }
0x2c: {  	s7 =	sld [smem:$0x3FA1]  }
0x2d: {  	s3 =	simm.s32 $0x108;
	s8 =	sld [smem:$0x3FA2]  }
0x2e: {  	s3 =	simm.s32 @!p0 $0x1082;
	s9 =	sld [smem:$0x3FA3]  }
0x2f: {  	lr =	sadd.s32 s0, s3;
	s0 =	sld [smem:$0x3F9A]  }
0x30: {  	s3 =	sld [smem:$0x3F9D]  }
0x31: {  	[smem:$0x3FA6] =	sst s10  }
0x32: {  	s10 =	sld [smem:$0x3FA4];
	_ =	sdelay $0x3  }
0x33: {  	p0 =	seq.s32 s10, $0x1;
	s10 =	sld [smem:$0x3FA6];
	_ =	sdelay $0x3  }
0x34: {  	[smem:$0x3FA6] =	sst s10  }
0x35: {  	s10 =	sld [smem:$0x3FA5];
	_ =	sdelay $0x3  }
0x36: {  	p1 =	seq.s32 s10, $0x1;
	s10 =	sld [smem:$0x3FA6];
	_ =	sdelay $0x3  }
0x37: {  	[smem:$0x3FA6] =	sst s10  }
0x38: {  	s10 =	sld [smem:$0x3FA7]  }
0x39: {  	_ = 	snop;
	(pc) =	sbr.ind lr, $3  }
0x3a: {  	_ = 	snop  }
0x3b: {  	_ = 	snop  }
0x3c: {  	p2 =	seq.s32 s10, $0x1;
	s10 =	sld [smem:$0x3FA6]  }
0x3d: {  	_ =	shalt  }
0x3e: {  	_ =	shalt  }
0x3f: {  	_ =	shalt  }
0x40: {  	_ =	shalt  }
0x41: {  	_ =	shalt  }
0x42: {  	_ =	shalt  }
0x43: {  	_ =	shalt  }
0x44: {  	_ =	shalt  }
0x45: {  	_ =	shalt  }
0x46: {  	_ =	shalt  }
0x47: {  	_ =	shalt  }
0x48: {  	_ =	shalt  }
0x49: {  	_ =	shalt  }
0x4a: {  	_ =	shalt  }
0x4b: {  	_ =	shalt  }
0x4c: {  	_ =	shalt  }
0x4d: {  	_ =	shalt  }
0x4e: {  	_ =	shalt  }
0x4f: {  	_ =	shalt  }
0x50: {  	_ =	shalt  }
0x51: {  	_ =	shalt  }
0x52: {  	_ =	shalt  }
0x53: {  	_ =	shalt  }
0x54: {  	_ =	shalt  }
0x55: {  	_ =	shalt  }
0x56: {  	_ =	shalt  }
0x57: {  	_ =	shalt  }
0x58: {  	_ =	shalt  }
0x59: {  	_ =	shalt  }
0x5a: {  	_ =	shalt  }
0x5b: {  	_ =	shalt  }
0x5c: {  	_ =	shalt  }
0x5d: {  	_ =	shalt  }
0x5e: {  	_ =	shalt  }
0x5f: {  	_ =	shalt  }
0x60: {  	_ =	shalt  }
0x61: {  	_ =	shalt  }
0x62: {  	_ =	shalt  }
0x63: {  	_ =	shalt  }
0x64: {  	_ =	shalt  }
0x65: {  	_ =	shalt  }
0x66: {  	_ =	shalt  }
0x67: {  	_ =	shalt  }
0x68: {  	_ =	shalt  }
0x69: {  	_ =	shalt  }
0x6a: {  	_ =	shalt  }
0x6b: {  	_ =	shalt  }
0x6c: {  	_ =	shalt  }
0x6d: {  	_ =	shalt  }
0x6e: {  	_ =	shalt  }
0x6f: {  	_ =	shalt  }
0x70: {  	_ =	shalt  }
0x71: {  	_ =	shalt  }
0x72: {  	_ =	shalt  }
0x73: {  	_ =	shalt  }
0x74: {  	_ =	shalt  }
0x75: {  	_ =	shalt  }
0x76: {  	_ =	shalt  }
0x77: {  	_ =	shalt  }
0x78: {  	_ =	shalt  }
0x79: {  	_ =	shalt  }
0x7a: {  	_ =	shalt  }
0x7b: {  	_ =	shalt  }
0x7c: {  	_ =	shalt  }
0x7d: {  	_ =	shalt  }
0x7e: {  	_ =	shalt  }
0x7f: {  	_ =	shalt  }
0x80: {  	_ =	shalt  }
0x81: {  	_ =	shalt  }
0x82: {  	_ =	shalt  }
0x83: {  	_ =	shalt  }
0x84: {  	_ =	shalt  }
0x85: {  	_ =	shalt  }
0x86: {  	_ =	shalt  }
0x87: {  	_ =	shalt  }
.Lfunc_end0:
.L_simem_size_0:
called_computation_lowered:
.L_overlay_start_0:
0x88: {  	s2 =	sld [smem:$0x3FD9]  }
0x89: {  	s3 =	sld [smem:$0x3FFE];
	_ =	sdelay $0x1  }
0x8a: {  	s1 =	srdreg.scid  }
0x8b: {  	s0 =	sand.u32 $0x1, s1  }
0x8c: {  	s17 =	sshll.u32 s0, $0xA;
	s2 =	sadd.s32 s3, s2  }
0x8d: {  	s2 =	sadd.s32 s2, s17  }
0x8e: {  	[smem:$0x3FB2] =	sst s2  }
0x8f: {  	_ = 	snop  }
0x90: {  	s2 =	sld [smem:$0x3FC9]  }
0x91: {  	s18 =	sld [smem:$0x3FC5];
	(tm) =	ssettm $0x1  }
0x92: {  	s4 =	sld [smem:$0x3FFB];
	_ =	sdelay $0x3  }
0x93: {  	_ =	strace s4  }
0x94: {  	s4 =	sld [smem:$0x3FFC];
	_ =	sdelay $0x3  }
0x95: {  	_ =	strace s4  }
0x96: {  	s4 =	sld [smem:$0x3FFD];
	_ =	sdelay $0x3  }
0x97: {  	_ =	strace s4  }
0x98: {  	_ =	strace $0x8FFFFFFF  }
0x99: {  	s19 =	sld [smem:$0x3FDB];
	_ =	sdelay $0x1  }
0x9a: {  	s5 =	simm.s32 $_scs_section_size  }
0x9b: {  	s6 =	simm.s32 $_size__tile_overlayer_lowered;
	s7 =	simm.s32 $_tile_overlayer_lowered  }
0x9c: {  	s22 =	simm.s32 $0x1BFF;
	s21 =	sshll.u32 s7, $0x1;
	s4 =	sadd.s32 s5, s19  }
0x9d: {  	s8 =	simm.s32 $0x0;
	s20 =	sshll.u32 s6, $0x1;
	s6 =	sadd.s32 s21, s4  }
0x9e: {  	[timem:s8], [sflag:s22] =	dma.local [hbm:s6], s20  }
0x9f: {  	_ =	swait.ge [sflag:s22], s20  }
0xa0: {  	s5 =	ssub.s32 $0x0, s20;
	[sflag:s22] =	ssyncset.done $0x0  }
0xa1: {  	[sflag:s22] =	ssyncadd.s32 s5;
	_ =	sdelay $0x1  }
0xa2: {  	s23 =	simm.s32 $0x1B8B  }
0xa3: {  	_ =	swait.ge [sflag:s23], $0x1  }
0xa4: {  	[sflag:s23] =	ssyncset.done $0x0  }
0xa5: {  	s25 =	simm.s32 $0x1B8E;
	s24 =	sld [smem:$0x3FFE];
	[sflag:s23] =	ssyncadd.s32 $0xFFFFFFFF  }
0xa6: {  	s26 =	simm.s32 $execute0_lowered;
	[smem:$0x3FD2] =	sst s25  }
0xa7: {  	s6 =	sshll.u32 s26, $0x1;
	_ =	strace $0x80000046;
	[dreg:$0x1] =	wrdreg $0xFFFFFFFF  }
0xa8: {  	s28 =	simm.s32 $_size_execute0_lowered;
	s4 =	sadd.s32 s4, s6;
	[dreg:$0x0] =	wrdreg $0x0  }
0xa9: {  	s6 =	sshll.u32 s28, $0x1;
	[dreg:$0x2] =	wrdreg s4  }
0xaa: {  	[dreg:$0x3] =	wrdreg s6  }
0xab: {  	[dreg:$0x4] =	wrdreg $0xC0  }
0xac: {  	_ =	task [dreg:s8], $0x5FFFF  }
0xad: {  	[dreg:$0x1] =	wrdreg $0xFFFFFFFF  }
0xae: {  	[dreg:$0x0] =	wrdreg $0x60  }
0xaf: {  	[dreg:$0x2] =	wrdreg s2  }
0xb0: {  	[dreg:$0x3] =	wrdreg s18  }
0xb1: {  	[dreg:$0x4] =	wrdreg s24  }
0xb2: {  	[dreg:$0x5] =	wrdreg $0x9  }
0xb3: {  	_ =	task.clear_ibuf [dreg:s8], $0x6FFFF;
	_ =	strace $0x90000046  }
0xb4: {  	s29 =	simm.s32 $0x9;
	_ =	strace $0x80000048  }
0xb5: {  	_ =	swait.ge [sflag:s29], $0x1  }
0xb6: {  	[sflag:s29] =	ssyncadd.s32 $0xFFFFFFFF  }
0xb7: {  	_ =	strace $0x90000048  }
0xb8: {  	_ =	sfence  }
0xb9: {  	s30 =	sld [smem:$0x0];
	_ =	sdelay $0x2  }
0xba: {  	s31 =	sshll.u32 s1, $0xD;
	s1 =	sshrl.u32 s1, $0x2  }
0xbb: {  	s3 =	sand.u32 $0x4000, s31;
	s1 =	sadd.s32 s1, s30  }
0xbc: {  	s0 =	sor.u32 s3, s0;
	s1 =	sshll.u32 s1, $0x11  }
0xbd: {  	s0 =	sor.u32 s1, s0  }
0xbe: {  	s0 =	sadd.s32 $0x8F2B, s0  }
0xbf: {  	[sflag:s0] =	ssyncadd.remote.s32 $0x1  }
0xc0: {  	_ =	sfence.sel $0xFFFF  }
0xc1: {  	[dreg:$0x0] =	wrdreg $0xFFFFFFFF;
	(pc) =	sbr.abs _section_cstart, $3  }
0xc2: {  	[dreg:$0x1] =	wrdreg $0xFFFFFFFF  }
0xc3: {  	_ =	task.clear_ibuf [dreg:s8], $0x2FFFF;
	_ =	strace $0x9FFFFFFF  }
0xc4: {  	(tm) =	ssettm $0x7FFFFFFF  }
0xc5: {  	_ =	shalt  }
tec
execute0_lowered:
.L_overlay_start_1:
0x0: {  	(tag) =	ssettag $0x1  }
0x1: {  	s1 =	srdreg.scid;
	s0 =	stileid.u32  }
0x2: {  	s22 =	sand.u32 $0x1, s1;
	s29 =	sshll.u32 s0, $0x1  }
0x3: {  	s2 =	rddreg [dreg:$0x0];
	s1 =	sor.u32 s22, s29  }
0x4: {  	s20 =	rddreg [dreg:$0x1];
	s18 =	smul.u32 $0x61A8, s1  }
0x5: {  	s12 =	rddreg [dreg:$0x2];
	s3 =	simm.s32 $0x0  }
0x6: {  	s5 =	simm.s32 $0x5;
	[smem:$0x7FF] =	sst s3;
	s21 =	sshrl.u32 s18, $0x3  }
0x7: {  	s1 =	rddreg [dreg:$0x3];
	_ =	strace $0x80000047;
	s4 =	sadd.s32 s20, s21  }
0x8: {  	[tilespmem:s3], [sflag:$0x5] =	stream.linear.gather [hbm4b:s4+s3], $0x1388, $0x38;
	[tilespmem:$0x5000] =	vst v63  }
0x9: {  	_ =	swait.ge [sflag:s5], $0x1388  }
0xa: {  	s7 =	simm.s32 $0x2800;
	s6 =	sadd.s32 $0x1388, s18;
	[sflag:s5] =	ssyncset.done $0x0  }
0xb: {  	s16 =	sshrl.u32 s6, $0x3;
	s6 =	simm.s32 $0x1388;
	[sflag:s5] =	ssyncadd.s32 $0xFFFFEC78  }
0xc: {  	[tilespmem:s7], [sflag:$0x1] =	stream.indirect.gather [hbm4b:s2+s6], $0x1, s3, s6, $0xb8;
	[tilespmem:$0x5000] =	vst v63  }
0xd: {  	s9 =	simm.s32 $0x1400;
	s8 =	sadd.s32 s20, s16  }
0xe: {  	[tilespmem:s9], [sflag:$0x5] =	stream.linear.gather [hbm4b:s8+s3], $0x1388, $0x38;
	[tilespmem:$0x5000] =	vst v63  }
0xf: {  	_ =	swait.ge [sflag:s5], $0x1388  }
0x10: {  	[sflag:s5] =	ssyncset.done $0x0  }
0x11: {  	s10 =	simm.s32 $0x3C00;
	s11 =	simm.s32 $0x1;
	[sflag:s5] =	ssyncadd.s32 $0xFFFFEC78  }
0x12: {  	[tilespmem:s10], [sflag:$0x2] =	stream.indirect.gather [hbm4b:s2+s6], $0x1, s9, s6, $0xb8;
	[tilespmem:$0x5000] =	vst v63  }
0x13: {  	_ =	swait.ge [sflag:s11], $0x1388  }
0x14: {  	s23 =	sadd.s32 $0x5600, s12;
	[sflag:s11] =	ssyncset.done $0x0  }
0x15: {  	s12 =	simm.s32 $0x3;
	s13 =	sadd.s32 s23, s21;
	[sflag:s11] =	ssyncadd.s32 $0xFFFFEC78  }
0x16: {  	[hbm4b:s13+s3] =	stream.linear.scatter [tilespmem:s7], [sflag:$0x3], $0x1388, $0x38;
	[tilespmem:$0x5000] =	vst v63  }
0x17: {  	_ =	swait.ge [sflag:s12], $0x1388  }
0x18: {  	s19 =	sadd.s32 $0x4E2, s21;
	[sflag:s12] =	ssyncset.done $0x0  }
0x19: {  	s14 =	sadd.s32 s20, s19;
	[sflag:s12] =	ssyncadd.s32 $0xFFFFEC78  }
0x1a: {  	[tilespmem:s3], [sflag:$0x5] =	stream.linear.gather [hbm4b:s14+s3], $0x1388, $0x38;
	[tilespmem:$0x5000] =	vst v63  }
0x1b: {  	_ =	swait.ge [sflag:s5], $0x1388  }
0x1c: {  	[sflag:s5] =	ssyncset.done $0x0  }
0x1d: {  	s15 =	simm.s32 $0x2;
	[sflag:s5] =	ssyncadd.s32 $0xFFFFEC78  }
0x1e: {  	[tilespmem:s7], [sflag:$0x1] =	stream.indirect.gather [hbm4b:s2+s6], $0x1, s3, s6, $0xb8;
	[tilespmem:$0x5000] =	vst v63  }
0x1f: {  	_ =	swait.ge [sflag:s15], $0x1388  }
0x20: {  	[sflag:s15] =	ssyncset.done $0x0  }
0x21: {  	s17 =	simm.s32 $0x4;
	s16 =	sadd.s32 s23, s16;
	[sflag:s15] =	ssyncadd.s32 $0xFFFFEC78  }
0x22: {  	[hbm4b:s16+s3] =	stream.linear.scatter [tilespmem:s10], [sflag:$0x4], $0x1388, $0x38;
	[tilespmem:$0x5000] =	vst v63  }
0x23: {  	s18 =	sadd.s32 $0x3A98, s18;
	_ =	swait.ge [sflag:s17], $0x1388  }
0x24: {  	s24 =	sshrl.u32 s18, $0x3;
	[sflag:s17] =	ssyncset.done $0x0  }
0x25: {  	s18 =	sadd.s32 s20, s24;
	[sflag:s17] =	ssyncadd.s32 $0xFFFFEC78  }
0x26: {  	[tilespmem:s9], [sflag:$0x5] =	stream.linear.gather [hbm4b:s18+s3], $0x1388, $0x38;
	[tilespmem:$0x5000] =	vst v63  }
0x27: {  	_ =	swait.ge [sflag:s5], $0x1388  }
0x28: {  	[sflag:s5] =	ssyncset.done $0x0  }
0x29: {  	[sflag:s5] =	ssyncadd.s32 $0xFFFFEC78  }
0x2a: {  	[tilespmem:s10], [sflag:$0x2] =	stream.indirect.gather [hbm4b:s2+s6], $0x1, s9, s6, $0xb8;
	[tilespmem:$0x5000] =	vst v63  }
0x2b: {  	_ =	swait.ge [sflag:s11], $0x1388  }
0x2c: {  	[sflag:s11] =	ssyncset.done $0x0  }
0x2d: {  	s19 =	sadd.s32 s23, s19;
	[sflag:s11] =	ssyncadd.s32 $0xFFFFEC78  }
0x2e: {  	[hbm4b:s19+s3] =	stream.linear.scatter [tilespmem:s7], [sflag:$0x3], $0x1388, $0x38;
	[tilespmem:$0x5000] =	vst v63  }
0x2f: {  	_ =	swait.ge [sflag:s12], $0x1388  }
0x30: {  	s25 =	sadd.s32 $0x9C4, s21;
	[sflag:s12] =	ssyncset.done $0x0  }
0x31: {  	s20 =	sadd.s32 s20, s25;
	[sflag:s12] =	ssyncadd.s32 $0xFFFFEC78  }
0x32: {  	[tilespmem:s3], [sflag:$0x5] =	stream.linear.gather [hbm4b:s20+s3], $0x1388, $0x38;
	[tilespmem:$0x5000] =	vst v63  }
0x33: {  	_ =	swait.ge [sflag:s5], $0x1388  }
0x34: {  	[sflag:s5] =	ssyncset.done $0x0  }
0x35: {  	[sflag:s5] =	ssyncadd.s32 $0xFFFFEC78  }
0x36: {  	[tilespmem:s7], [sflag:$0x1] =	stream.indirect.gather [hbm4b:s2+s6], $0x1, s3, s6, $0xb8;
	[tilespmem:$0x5000] =	vst v63  }
0x37: {  	_ =	swait.ge [sflag:s15], $0x1388  }
0x38: {  	s30 =	ssub.s32 $0x2, s22;
	[sflag:s15] =	ssyncset.done $0x0  }
0x39: {  	s31 =	sshrl.u32 s30, $0x1;
	s21 =	sadd.s32 s23, s24;
	[sflag:s15] =	ssyncadd.s32 $0xFFFFEC78  }
0x3a: {  	[hbm4b:s21+s3] =	stream.linear.scatter [tilespmem:s10], [sflag:$0x4], $0x1388, $0x38;
	[tilespmem:$0x5000] =	vst v63  }
0x3b: {  	s22 =	sadd.s32 s23, s25;
	s23 =	ssub.s32 s30, s31;
	_ =	swait.ge [sflag:s11], $0x1388  }
0x3c: {  	s23 =	smax.u32 s23, $0x1;
	[sflag:s11] =	ssyncset.done $0x0  }
0x3d: {  	p0 =	sne.s32 s23, $0x1;
	[sflag:s11] =	ssyncadd.s32 $0xFFFFEC78  }
0x3e: {  	[hbm4b:s22+s3] =	stream.linear.scatter [tilespmem:s7], [sflag:$0x3], $0x1388, $0x38;
	[tilespmem:$0x5000] =	vst v63  }
.Ltmp0:
0x3f: {  	_ =	swait.ge [sflag:s17], $0x1388;
	(pc) =	sbr.rel @!p0 .LBB2_2-.Ltmp0, $4  }
0x40: {  	[sflag:s17] =	ssyncset.done $0x0  }
0x41: {  	[sflag:s17] =	ssyncadd.s32 $0xFFFFEC78  }
0x42: {  	_ =	swait.ge [sflag:s12], $0x1388  }
0x43: {  	s23 =	sadd.s32 $0xFFFFFFFF, s23;
	[sflag:s12] =	ssyncset.done $0x0  }
.LBB2_1:
0x44: {  	p0 =	sne.s32 s23, $0x1;
	s23 =	sadd.s32 $0xFFFFFFFF, s23;
	[sflag:s12] =	ssyncadd.s32 $0xFFFFEC78  }
0x45: {  	[tilespmem:s3], [sflag:$0x5] =	stream.linear.gather [hbm4b:s4+s3], $0x1388, $0x38;
	[tilespmem:$0x5000] =	vst v63  }
0x46: {  	_ =	swait.ge [sflag:s5], $0x1388  }
0x47: {  	[sflag:s5] =	ssyncset.done $0x0  }
0x48: {  	[sflag:s5] =	ssyncadd.s32 $0xFFFFEC78  }
0x49: {  	[tilespmem:s7], [sflag:$0x1] =	stream.indirect.gather [hbm4b:s2+s6], $0x1, s3, s6, $0xb8;
	[tilespmem:$0x5000] =	vst v63  }
0x4a: {  	_ = 	snop  }
0x4b: {  	[tilespmem:s9], [sflag:$0x5] =	stream.linear.gather [hbm4b:s8+s3], $0x1388, $0x38;
	[tilespmem:$0x5000] =	vst v63  }
0x4c: {  	_ =	swait.ge [sflag:s5], $0x1388  }
0x4d: {  	[sflag:s5] =	ssyncset.done $0x0  }
0x4e: {  	[sflag:s5] =	ssyncadd.s32 $0xFFFFEC78  }
0x4f: {  	[tilespmem:s10], [sflag:$0x2] =	stream.indirect.gather [hbm4b:s2+s6], $0x1, s9, s6, $0xb8;
	[tilespmem:$0x5000] =	vst v63  }
0x50: {  	_ =	swait.ge [sflag:s11], $0x1388  }
0x51: {  	[sflag:s11] =	ssyncset.done $0x0  }
0x52: {  	[sflag:s11] =	ssyncadd.s32 $0xFFFFEC78  }
0x53: {  	[hbm4b:s13+s3] =	stream.linear.scatter [tilespmem:s7], [sflag:$0x3], $0x1388, $0x38;
	[tilespmem:$0x5000] =	vst v63  }
0x54: {  	_ =	swait.ge [sflag:s12], $0x1388  }
0x55: {  	[sflag:s12] =	ssyncset.done $0x0  }
0x56: {  	[sflag:s12] =	ssyncadd.s32 $0xFFFFEC78  }
0x57: {  	[tilespmem:s3], [sflag:$0x5] =	stream.linear.gather [hbm4b:s14+s3], $0x1388, $0x38;
	[tilespmem:$0x5000] =	vst v63  }
0x58: {  	_ =	swait.ge [sflag:s5], $0x1388  }
0x59: {  	[sflag:s5] =	ssyncset.done $0x0  }
0x5a: {  	[sflag:s5] =	ssyncadd.s32 $0xFFFFEC78  }
0x5b: {  	[tilespmem:s7], [sflag:$0x1] =	stream.indirect.gather [hbm4b:s2+s6], $0x1, s3, s6, $0xb8;
	[tilespmem:$0x5000] =	vst v63  }
0x5c: {  	_ =	swait.ge [sflag:s15], $0x1388  }
0x5d: {  	[sflag:s15] =	ssyncset.done $0x0  }
0x5e: {  	[sflag:s15] =	ssyncadd.s32 $0xFFFFEC78  }
0x5f: {  	[hbm4b:s16+s3] =	stream.linear.scatter [tilespmem:s10], [sflag:$0x4], $0x1388, $0x38;
	[tilespmem:$0x5000] =	vst v63  }
0x60: {  	_ =	swait.ge [sflag:s17], $0x1388  }
0x61: {  	[sflag:s17] =	ssyncset.done $0x0  }
0x62: {  	[sflag:s17] =	ssyncadd.s32 $0xFFFFEC78  }
0x63: {  	[tilespmem:s9], [sflag:$0x5] =	stream.linear.gather [hbm4b:s18+s3], $0x1388, $0x38;
	[tilespmem:$0x5000] =	vst v63  }
0x64: {  	_ =	swait.ge [sflag:s5], $0x1388  }
0x65: {  	[sflag:s5] =	ssyncset.done $0x0  }
0x66: {  	[sflag:s5] =	ssyncadd.s32 $0xFFFFEC78  }
0x67: {  	[tilespmem:s10], [sflag:$0x2] =	stream.indirect.gather [hbm4b:s2+s6], $0x1, s9, s6, $0xb8;
	[tilespmem:$0x5000] =	vst v63  }
0x68: {  	_ =	swait.ge [sflag:s11], $0x1388  }
0x69: {  	[sflag:s11] =	ssyncset.done $0x0  }
0x6a: {  	[sflag:s11] =	ssyncadd.s32 $0xFFFFEC78  }
0x6b: {  	[hbm4b:s19+s3] =	stream.linear.scatter [tilespmem:s7], [sflag:$0x3], $0x1388, $0x38;
	[tilespmem:$0x5000] =	vst v63  }
0x6c: {  	_ =	swait.ge [sflag:s12], $0x1388  }
0x6d: {  	[sflag:s12] =	ssyncset.done $0x0  }
0x6e: {  	[sflag:s12] =	ssyncadd.s32 $0xFFFFEC78  }
0x6f: {  	[tilespmem:s3], [sflag:$0x5] =	stream.linear.gather [hbm4b:s20+s3], $0x1388, $0x38;
	[tilespmem:$0x5000] =	vst v63  }
0x70: {  	_ =	swait.ge [sflag:s5], $0x1388  }
0x71: {  	[sflag:s5] =	ssyncset.done $0x0  }
0x72: {  	[sflag:s5] =	ssyncadd.s32 $0xFFFFEC78  }
0x73: {  	[tilespmem:s7], [sflag:$0x1] =	stream.indirect.gather [hbm4b:s2+s6], $0x1, s3, s6, $0xb8;
	[tilespmem:$0x5000] =	vst v63  }
0x74: {  	_ =	swait.ge [sflag:s15], $0x1388  }
0x75: {  	[sflag:s15] =	ssyncset.done $0x0  }
0x76: {  	[sflag:s15] =	ssyncadd.s32 $0xFFFFEC78  }
0x77: {  	[hbm4b:s21+s3] =	stream.linear.scatter [tilespmem:s10], [sflag:$0x4], $0x1388, $0x38;
	[tilespmem:$0x5000] =	vst v63  }
0x78: {  	_ =	swait.ge [sflag:s11], $0x1388  }
0x79: {  	[sflag:s11] =	ssyncset.done $0x0  }
0x7a: {  	[sflag:s11] =	ssyncadd.s32 $0xFFFFEC78  }
0x7b: {  	[hbm4b:s22+s3] =	stream.linear.scatter [tilespmem:s7], [sflag:$0x3], $0x1388, $0x38;
	[tilespmem:$0x5000] =	vst v63  }
.Ltmp1:
0x7c: {  	_ =	swait.ge [sflag:s17], $0x1388;
	(pc) =	sbr.rel @p0 .LBB2_1-.Ltmp1, $4  }
0x7d: {  	[sflag:s17] =	ssyncset.done $0x0  }
0x7e: {  	[sflag:s17] =	ssyncadd.s32 $0xFFFFEC78  }
0x7f: {  	_ =	swait.ge [sflag:s12], $0x1388  }
0x80: {  	[sflag:s12] =	ssyncset.done $0x0  }
.LBB2_2:
0x81: {  	[sflag:s12] =	ssyncadd.s32 $0xFFFFEC78  }
0x82: {  	_ =	sfence.sel $0x180000  }
0x83: {  	[bflag:$0x0] =	sbarrier.arrive $0xFFFF  }
0x84: {  	p0 =	sne.s32 s0, $0x0;
	_ =	strace $0x90000047  }
0x85: {  	s0 =	sadd.s32 @!p0 $0x100000, s1;
	[bflag:$0x2] =	sbarrier.arrive $0xFFFF  }
0x86: {  	[sflag:s0] =	ssyncadd.tile.s32 @!p0 $0x1;
	_ =	shalt  }
.Lfunc_end2:
_tile_overlayer_lowered:
.L_overlay_start_2:
0x87: {  	(tag) =	ssettag $0x2  }
0x88: {  	s0 =	rddreg [dreg:$0x0];
	s2 =	stileid.u32  }
0x89: {  	s1 =	rddreg [dreg:$0x1];
	p0 =	sne.s32 s2, $0x0  }
0x8a: {  	s3 =	rddreg [dreg:$0x2];
	[bflag:$0x3] =	sbarrier.arrive $0xFFFF;
	s2 =	simm.s32 @!p0 $0x1C05  }
0x8b: {  	[timem:s3], [sflag:s2] =	dma.local @!p0 [hbm:s0], s1  }
0x8c: {  	s0 =	simm.s32 @!p0 $0x5  }
0x8d: {  	_ =	swait.ge @!p0 [sflag:s0], s1  }
0x8e: {  	s1 =	ssub.s32 @!p0 $0x0, s1;
	[sflag:s0] =	ssyncset.done @!p0 $0x0  }
0x8f: {  	[sflag:s0] =	ssyncadd.s32 @!p0 s1  }
0x90: {  	[bflag:$0x3] =	sbarrier.arrive $0xFFFF  }
0x91: {  	_ =	shalt  }

// kernel: kernel.13.cloned.1.call-start
scs
__scs_entry_jumppad:
0x0: {  	(pc) =	sbr.rel $0x88, $3  }
0x1: {  	(tag) =	ssettag $0x0;
	lr =	simm.s32 $0x1  }
0x2: {  	[smem:$0x3F8B] =	sst lr;
	_ =	strace $0xD0000000  }
0x3: {  	_ = 	snop  }
0x4: {  	_ = 	snop  }
0x5: {  	_ = 	snop  }
0x6: {  	_ = 	snop  }
0x7: {  	_ = 	snop  }
__scs_overlays_trampoline_lowered:
0x8: {  	[smem:$0x3F9A] =	sst s0  }
0x9: {  	[smem:$0x3F9B] =	sst s1  }
0xa: {  	[smem:$0x3F9C] =	sst s2  }
0xb: {  	[smem:$0x3F9D] =	sst s3  }
0xc: {  	[smem:$0x3F9E] =	sst s4  }
0xd: {  	[smem:$0x3F9F] =	sst s5  }
0xe: {  	[smem:$0x3FA0] =	sst s6  }
0xf: {  	[smem:$0x3FA1] =	sst s7  }
0x10: {  	[smem:$0x3FA2] =	sst s8  }
0x11: {  	[smem:$0x3FA3] =	sst s9;
	s0 =	simm.s32 @!p0 $0x0  }
0x12: {  	s1 =	sld [smem:$0x3F89];
	s0 =	simm.s32 @p0 $0x1  }
0x13: {  	[smem:$0x3FA4] =	sst s0;
	s0 =	simm.s32 @!p1 $0x0  }
0x14: {  	s2 =	sld [smem:$0x3F88];
	s0 =	simm.s32 @p1 $0x1  }
0x15: {  	[smem:$0x3FA5] =	sst s0;
	s0 =	simm.s32 @!p2 $0x0  }
0x16: {  	s3 =	sld [smem:$0x3FDB];
	s0 =	simm.s32 @p2 $0x1  }
0x17: {  	s4 =	simm.s32 $0x1BF5;
	[smem:$0x3FA7] =	sst s0  }
0x18: {  	s0 =	sld [smem:$0x3F8A];
	_ =	swait.ge [sflag:s4], $0x0  }
0x19: {  	s7 =	sld [smem:$0x3F8B]  }
0x1a: {  	s8 =	sadd.s32 $0xFFFFE003, lr  }
0x1b: {  	s9 =	sadd.s32 $0xFFFFFEF7, lr;
	s5 =	simm.s32 $0xFFFFFFFF;
	p2 =	slt.u32 s8, $0xFFFFF086  }
0x1c: {  	p1 =	slt.u32 s9, $0xF7A;
	s5 =	simm.s32 @!p2 $0x0  }
0x1d: {  	s5 =	simm.s32 @p1 $0x1;
	p0 =	seq.s32 s7, s2  }
0x1e: {  	s7 =	smul.u32 @!p0 $0xF7A, s2;
	p2 =	seq.s32 @!p0 s5, $0x0  }
0x1f: {  	s9 =	smul.u32 $0xF7A, s1;
	s8 =	simm.s32 @!p0 $0x1BF5;
	p2 =	por !p2, p0  }
0x20: {  	[sflag:s8] =	ssyncset.s32 @!p0 $0xFFFFF086;
	s6 =	sadd.s32 @!p0 s3, s7;
	s7 =	simm.s32 @!p0 $0x108  }
0x21: {  	s3 =	sadd.s32 s3, s9;
	s6 =	sadd.s32 @!p0 $0x88, s6;
	s7 =	simm.s32 @p2 $0x1082  }
0x22: {  	[simem:s7], [sflag:s8] =	dma.local @!p0 [hbm:s6], $0xF7A  }
0x23: {  	s9 =	sor.u32 $0xD0000000, s2;
	s6 =	simm.s32 $0x108;
	_ =	swait.ge @!p0 [sflag:s8], $0x0  }
0x24: {  	s3 =	sadd.s32 $0x88, s3;
	s6 =	simm.s32 @!p1 $0x1082;
	[sflag:s4] =	ssyncset.s32 $0xFFFFF086  }
0x25: {  	[simem:s6], [sflag:s4] =	dma.local [hbm:s3], $0xF7A  }
0x26: {  	[smem:$0x3F8B] =	sst s1;
	(tag) =	ssettag s2;
	_ =	strace s9  }
0x27: {  	s1 =	sld [smem:$0x3F9B]  }
0x28: {  	s2 =	sld [smem:$0x3F9C]  }
0x29: {  	s4 =	sld [smem:$0x3F9E]  }
0x2a: {  	p0 =	seq.s32 s5, $0x0;
	s5 =	sld [smem:$0x3F9F]  }
0x2b: {  	s6 =	sld [smem:$0x3FA0]  }
0x2c: {  	s7 =	sld [smem:$0x3FA1]  }
0x2d: {  	s3 =	simm.s32 $0x108;
	s8 =	sld [smem:$0x3FA2]  }
0x2e: {  	s3 =	simm.s32 @!p0 $0x1082;
	s9 =	sld [smem:$0x3FA3]  }
0x2f: {  	lr =	sadd.s32 s0, s3;
	s0 =	sld [smem:$0x3F9A]  }
0x30: {  	s3 =	sld [smem:$0x3F9D]  }
0x31: {  	[smem:$0x3FA6] =	sst s10  }
0x32: {  	s10 =	sld [smem:$0x3FA4];
	_ =	sdelay $0x3  }
0x33: {  	p0 =	seq.s32 s10, $0x1;
	s10 =	sld [smem:$0x3FA6];
	_ =	sdelay $0x3  }
0x34: {  	[smem:$0x3FA6] =	sst s10  }
0x35: {  	s10 =	sld [smem:$0x3FA5];
	_ =	sdelay $0x3  }
0x36: {  	p1 =	seq.s32 s10, $0x1;
	s10 =	sld [smem:$0x3FA6];
	_ =	sdelay $0x3  }
0x37: {  	[smem:$0x3FA6] =	sst s10  }
0x38: {  	s10 =	sld [smem:$0x3FA7]  }
0x39: {  	_ = 	snop;
	(pc) =	sbr.ind lr, $3  }
0x3a: {  	_ = 	snop  }
0x3b: {  	_ = 	snop  }
0x3c: {  	p2 =	seq.s32 s10, $0x1;
	s10 =	sld [smem:$0x3FA6]  }
0x3d: {  	_ =	shalt  }
0x3e: {  	_ =	shalt  }
0x3f: {  	_ =	shalt  }
0x40: {  	_ =	shalt  }
0x41: {  	_ =	shalt  }
0x42: {  	_ =	shalt  }
0x43: {  	_ =	shalt  }
0x44: {  	_ =	shalt  }
0x45: {  	_ =	shalt  }
0x46: {  	_ =	shalt  }
0x47: {  	_ =	shalt  }
0x48: {  	_ =	shalt  }
0x49: {  	_ =	shalt  }
0x4a: {  	_ =	shalt  }
0x4b: {  	_ =	shalt  }
0x4c: {  	_ =	shalt  }
0x4d: {  	_ =	shalt  }
0x4e: {  	_ =	shalt  }
0x4f: {  	_ =	shalt  }
0x50: {  	_ =	shalt  }
0x51: {  	_ =	shalt  }
0x52: {  	_ =	shalt  }
0x53: {  	_ =	shalt  }
0x54: {  	_ =	shalt  }
0x55: {  	_ =	shalt  }
0x56: {  	_ =	shalt  }
0x57: {  	_ =	shalt  }
0x58: {  	_ =	shalt  }
0x59: {  	_ =	shalt  }
0x5a: {  	_ =	shalt  }
0x5b: {  	_ =	shalt  }
0x5c: {  	_ =	shalt  }
0x5d: {  	_ =	shalt  }
0x5e: {  	_ =	shalt  }
0x5f: {  	_ =	shalt  }
0x60: {  	_ =	shalt  }
0x61: {  	_ =	shalt  }
0x62: {  	_ =	shalt  }
0x63: {  	_ =	shalt  }
0x64: {  	_ =	shalt  }
0x65: {  	_ =	shalt  }
0x66: {  	_ =	shalt  }
0x67: {  	_ =	shalt  }
0x68: {  	_ =	shalt  }
0x69: {  	_ =	shalt  }
0x6a: {  	_ =	shalt  }
0x6b: {  	_ =	shalt  }
0x6c: {  	_ =	shalt  }
0x6d: {  	_ =	shalt  }
0x6e: {  	_ =	shalt  }
0x6f: {  	_ =	shalt  }
0x70: {  	_ =	shalt  }
0x71: {  	_ =	shalt  }
0x72: {  	_ =	shalt  }
0x73: {  	_ =	shalt  }
0x74: {  	_ =	shalt  }
0x75: {  	_ =	shalt  }
0x76: {  	_ =	shalt  }
0x77: {  	_ =	shalt  }
0x78: {  	_ =	shalt  }
0x79: {  	_ =	shalt  }
0x7a: {  	_ =	shalt  }
0x7b: {  	_ =	shalt  }
0x7c: {  	_ =	shalt  }
0x7d: {  	_ =	shalt  }
0x7e: {  	_ =	shalt  }
0x7f: {  	_ =	shalt  }
0x80: {  	_ =	shalt  }
0x81: {  	_ =	shalt  }
0x82: {  	_ =	shalt  }
0x83: {  	_ =	shalt  }
0x84: {  	_ =	shalt  }
0x85: {  	_ =	shalt  }
0x86: {  	_ =	shalt  }
0x87: {  	_ =	shalt  }
.Lfunc_end0:
.L_simem_size_0:
called_computation.1_lowered:
.L_overlay_start_0:
0x88: {  	s2 =	sld [smem:$0x3FD9]  }
0x89: {  	s3 =	sld [smem:$0x3FFE];
	_ =	sdelay $0x1  }
0x8a: {  	s1 =	srdreg.scid  }
0x8b: {  	s0 =	sand.u32 $0x1, s1  }
0x8c: {  	s17 =	sshll.u32 s0, $0xA;
	s2 =	sadd.s32 s3, s2  }
0x8d: {  	s2 =	sadd.s32 s2, s17  }
0x8e: {  	[smem:$0x3FB2] =	sst s2  }
0x8f: {  	_ = 	snop  }
0x90: {  	(tm) =	ssettm $0x1  }
0x91: {  	s18 =	sld [smem:$0x3FFB];
	_ =	sdelay $0x3  }
0x92: {  	_ =	strace s18  }
0x93: {  	s2 =	sld [smem:$0x3FFC];
	_ =	sdelay $0x3  }
0x94: {  	_ =	strace s2  }
0x95: {  	s2 =	sld [smem:$0x3FFD];
	_ =	sdelay $0x3  }
0x96: {  	_ =	strace s2  }
0x97: {  	_ =	strace $0x8FFFFFFF  }
0x98: {  	s19 =	sld [smem:$0x3FDB];
	_ =	sdelay $0x1  }
0x99: {  	s20 =	simm.s32 $_scs_section_size  }
0x9a: {  	s4 =	simm.s32 $_size__tile_overlayer_lowered;
	s5 =	simm.s32 $_tile_overlayer_lowered  }
0x9b: {  	s6 =	simm.s32 $0x1BFF;
	s21 =	sshll.u32 s5, $0x1;
	s3 =	sadd.s32 s20, s19  }
0x9c: {  	s22 =	simm.s32 $0x0;
	s4 =	sshll.u32 s4, $0x1;
	s5 =	sadd.s32 s21, s3  }
0x9d: {  	[timem:s22], [sflag:s6] =	dma.local [hbm:s5], s4  }
0x9e: {  	_ =	swait.ge [sflag:s6], s4  }
0x9f: {  	s4 =	ssub.s32 $0x0, s4;
	[sflag:s6] =	ssyncset.done $0x0  }
0xa0: {  	[sflag:s6] =	ssyncadd.s32 s4;
	_ =	sdelay $0x1  }
0xa1: {  	s23 =	simm.s32 $0x1B8B  }
0xa2: {  	_ =	swait.ge [sflag:s23], $0x1  }
0xa3: {  	[sflag:s23] =	ssyncset.done $0x0  }
0xa4: {  	[sflag:s23] =	ssyncadd.s32 $0xFFFFFFFF  }
0xa5: {  	s4 =	sld [smem:$0x0]  }
0xa6: {  	s5 =	sand.u32 $0xFFFFFFFE, s1  }
0xa7: {  	p0 =	sne.s32 s1, s5  }
0xa8: {  	s5 =	sshll.u32 @p0 s5, $0xE  }
0xa9: {  	s5 =	sadd.s32 @p0 $0x11B8D, s5;
	s6 =	sshll.u32 @p0 s4, $0x11  }
0xaa: {  	s5 =	sor.u32 @p0 s6, s5  }
0xab: {  	[sflag:s5] =	ssyncadd.remote.s32 @p0 $0x1;
	_ =	sdelay $0x1  }
0xac: {  	s5 =	simm.s32 @p0 $0x1B8D  }
0xad: {  	_ =	swait.eq @p0 [sflag:s5], $0x1  }
0xae: {  	[sflag:s5] =	ssyncadd.s32 @p0 $0xFFFFFFFF  }
0xaf: {  	s6 =	sshll.u32 @!p0 s1, $0xE  }
0xb0: {  	s6 =	sor.u32 @!p0 $0x4000, s6;
	s5 =	simm.s32 @!p0 $0x1B8D  }
0xb1: {  	s4 =	sshll.u32 @!p0 s4, $0x11;
	s6 =	sadd.s32 @!p0 $0x11B8D, s6;
	_ =	swait.eq @!p0 [sflag:s5], $0x1  }
0xb2: {  	s4 =	sor.u32 @!p0 s4, s6;
	[sflag:s5] =	ssyncadd.s32 @!p0 $0xFFFFFFFF  }
0xb3: {  	s25 =	simm.s32 $0x1B8E;
	s24 =	sld [smem:$0x3FFE];
	[sflag:s4] =	ssyncadd.remote.s32 @!p0 $0x1  }
0xb4: {  	s26 =	simm.s32 $execute0_lowered;
	[smem:$0x3FD2] =	sst s25  }
0xb5: {  	s5 =	sshll.u32 s26, $0x1;
	_ =	strace $0x8000004C;
	[dreg:$0x1] =	wrdreg $0xFFFFFFFF  }
0xb6: {  	s28 =	simm.s32 $_size_execute0_lowered;
	s3 =	sadd.s32 s3, s5;
	[dreg:$0x0] =	wrdreg $0x0  }
0xb7: {  	s5 =	sshll.u32 s28, $0x1;
	[dreg:$0x2] =	wrdreg s3  }
0xb8: {  	[dreg:$0x3] =	wrdreg s5  }
0xb9: {  	[dreg:$0x4] =	wrdreg $0xC0  }
0xba: {  	_ =	task [dreg:s22], $0x5FFFF  }
0xbb: {  	[dreg:$0x1] =	wrdreg $0xFFFFFFFF  }
0xbc: {  	[dreg:$0x0] =	wrdreg $0x60  }
0xbd: {  	[dreg:$0x2] =	wrdreg s24  }
0xbe: {  	[dreg:$0x3] =	wrdreg $0x9  }
0xbf: {  	_ =	task.clear_ibuf [dreg:s22], $0x4FFFF;
	_ =	strace $0x9000004C  }
0xc0: {  	s29 =	simm.s32 $0x9;
	_ =	strace $0x8000004E  }
0xc1: {  	_ =	swait.ge [sflag:s29], $0x1  }
0xc2: {  	[sflag:s29] =	ssyncadd.s32 $0xFFFFFFFF  }
0xc3: {  	_ =	strace $0x9000004E  }
0xc4: {  	_ =	sfence  }
0xc5: {  	s30 =	sld [smem:$0x0];
	_ =	sdelay $0x2  }
0xc6: {  	s31 =	sshll.u32 s1, $0xD;
	s1 =	sshrl.u32 s1, $0x2  }
0xc7: {  	s4 =	sand.u32 $0x4000, s31;
	s1 =	sadd.s32 s1, s30  }
0xc8: {  	s0 =	sor.u32 s4, s0;
	s1 =	sshll.u32 s1, $0x11  }
0xc9: {  	s0 =	sor.u32 s1, s0  }
0xca: {  	s0 =	sadd.s32 $0x8F2B, s0  }
0xcb: {  	[sflag:s0] =	ssyncadd.remote.s32 $0x1  }
0xcc: {  	_ =	sfence.sel $0xFFFF  }
0xcd: {  	[dreg:$0x0] =	wrdreg $0xFFFFFFFF;
	(pc) =	sbr.abs _section_cstart, $3  }
0xce: {  	[dreg:$0x1] =	wrdreg $0xFFFFFFFF  }
0xcf: {  	_ =	task.clear_ibuf [dreg:s22], $0x2FFFF;
	_ =	strace $0x9FFFFFFF  }
0xd0: {  	(tm) =	ssettm $0x7FFFFFFF  }
0xd1: {  	_ =	shalt  }
tec
execute0_lowered:
.L_overlay_start_1:
0x0: {  	(tag) =	ssettag $0x1  }
0x1: {  	s4 =	rddreg [dreg:$0x0]  }
0x2: {  	s0 =	rddreg [dreg:$0x1]  }
0x3: {  	s2 =	simm.s32 $0x0;
	s3 =	srdreg.scid;
	s1 =	stileid.u32  }
0x4: {  	s18 =	simm.s32 $0x5200;
	s19 =	simm.s32 $0x1;
	s20 =	simm.s32 $0x3  }
0x5: {  	s21 =	simm.s32 $0x2;
	s22 =	simm.s32 $0x4;
	s14 =	smul.u32 $0x5DC0, s1  }
0x6: {  	s23 =	simm.s32 $0x0;
	s11 =	sand.u32 $0x1, s3;
	s30 =	smul.u32 $0x5DC00, s1  }
0x7: {  	[smem:$0x7FF] =	sst s2;
	s5 =	sshll.u32 s1, $0x1;
	s15 =	smul.u32 $0x2EE0, s11  }
0x8: {  	s3 =	sadd.s32 $0x43600, s4;
	s5 =	sor.u32 s11, s5;
	s17 =	smul.u32 $0x2EE00, s11  }
0x9: {  	s13 =	sadd.s32 $0x5600, s4;
	s6 =	ssub.s32 $0x2, s11;
	s7 =	smul.u32 $0x2EE0, s5  }
0xa: {  	s12 =	sadd.s32 $0xDDD200, s4;
	s25 =	sshrl.u32 s6, $0x1;
	s8 =	smul.u32 $0x177000, s5  }
0xb: {  	_ =	strace $0x8000004D;
	s28 =	smul.u32 $0x2EE00, s5;
	s10 =	ssub.s32 s6, s25  }
0xc: {  	s14 =	sadd.s32 s15, s14;
	s15 =	simm.s32 $0xA0;
	s26 =	sshrl.u32 s7, $0x3  }
0xd: {  	s29 =	sshrl.u32 s8, $0x3;
	s6 =	sadd.s32 s12, s28;
	s10 =	smax.u32 s10, $0x1  }
0xe: {  	s16 =	sadd.s32 $0x280, s14;
	s14 =	sadd.s32 $0x1E0, s14;
	s4 =	sadd.s32 s13, s26  }
0xf: {  	s9 =	sadd.s32 s12, s29;
	s31 =	sshrl.u32 s16, $0x3;
	s12 =	sadd.s32 s30, s12  }
0x10: {  	s14 =	sshrl.u32 s14, $0x3;
	s16 =	simm.s32 $0x200;
	s5 =	sadd.s32 $0x14, s4  }
0x11: {  	s7 =	sadd.s32 $0x28, s4;
	s8 =	sadd.s32 $0x2DA00, s9;
	s9 =	sadd.s32 $0x2E400, s9  }
0x12: {  	s11 =	sadd.s32 s31, s13;
	s12 =	sadd.s32 s17, s12;
	s13 =	sadd.s32 s14, s13  }
0x13: {  	s14 =	simm.s32 $0x5;
	s17 =	simm.s32 $0x100;
	s12 =	sadd.s32 $0x1400, s12  }
.LBB2_1:
0x14: {  	[tilespmem:s2], [sflag:$0x5] =	stream.linear.gather [hbm4b:s4+s2], $0xA0, $0x38;
	[tilespmem:$0xA200] =	vst v63  }
0x15: {  	_ =	swait.ge [sflag:s14], $0xA0  }
0x16: {  	[sflag:s14] =	ssyncset.done $0x0  }
0x17: {  	[sflag:s14] =	ssyncadd.s32 $0xFFFFFF60  }
0x18: {  	[tilespmem:s16], [sflag:$0x1] =	stream.indirect.gather [hbm4b:s3+s15], $0x80, s2, s15, $0xb8;
	[tilespmem:$0xA200] =	vst v63  }
0x19: {  	_ = 	snop  }
0x1a: {  	[tilespmem:s17], [sflag:$0x5] =	stream.linear.gather [hbm4b:s5+s2], $0xA0, $0x38;
	[tilespmem:$0xA200] =	vst v63  }
0x1b: {  	_ =	swait.ge [sflag:s14], $0xA0  }
0x1c: {  	[sflag:s14] =	ssyncset.done $0x0  }
0x1d: {  	[sflag:s14] =	ssyncadd.s32 $0xFFFFFF60  }
0x1e: {  	[tilespmem:s18], [sflag:$0x2] =	stream.indirect.gather [hbm4b:s3+s15], $0x80, s17, s15, $0xb8;
	[tilespmem:$0xA200] =	vst v63  }
0x1f: {  	_ =	swait.ge [sflag:s19], $0x5000  }
0x20: {  	[sflag:s19] =	ssyncset.done $0x0  }
0x21: {  	[sflag:s19] =	ssyncadd.s32 $0xFFFFB000  }
0x22: {  	[hbm4b:s6+s2] =	stream.linear.scatter [tilespmem:s16], [sflag:$0x3], $0x5000, $0x38;
	[tilespmem:$0xA200] =	vst v63  }
0x23: {  	_ =	swait.ge [sflag:s20], $0x5000  }
0x24: {  	[sflag:s20] =	ssyncset.done $0x0  }
0x25: {  	[sflag:s20] =	ssyncadd.s32 $0xFFFFB000  }
0x26: {  	[tilespmem:s2], [sflag:$0x5] =	stream.linear.gather [hbm4b:s7+s2], $0xA0, $0x38;
	[tilespmem:$0xA200] =	vst v63  }
0x27: {  	_ =	swait.ge [sflag:s14], $0xA0  }
0x28: {  	[sflag:s14] =	ssyncset.done $0x0  }
0x29: {  	[sflag:s14] =	ssyncadd.s32 $0xFFFFFF60  }
0x2a: {  	[tilespmem:s16], [sflag:$0x1] =	stream.indirect.gather [hbm4b:s3+s15], $0x80, s2, s15, $0xb8;
	[tilespmem:$0xA200] =	vst v63  }
0x2b: {  	_ =	swait.ge [sflag:s21], $0x5000  }
0x2c: {  	[sflag:s21] =	ssyncset.done $0x0  }
0x2d: {  	s24 =	sadd.s32 $0xFFFFF600, s12;
	[sflag:s21] =	ssyncadd.s32 $0xFFFFB000  }
0x2e: {  	[hbm4b:s24+s2] =	stream.linear.scatter [tilespmem:s18], [sflag:$0x4], $0x5000, $0x38;
	[tilespmem:$0xA200] =	vst v63  }
0x2f: {  	_ =	swait.ge [sflag:s22], $0x5000  }
0x30: {  	[sflag:s22] =	ssyncset.done $0x0  }
0x31: {  	s30 =	sadd.s32 $0x0, s13;
	[sflag:s22] =	ssyncadd.s32 $0xFFFFB000  }
0x32: {  	[tilespmem:s17], [sflag:$0x5] =	stream.linear.gather [hbm4b:s30+s2], $0xA0, $0x38;
	[tilespmem:$0xA200] =	vst v63  }
0x33: {  	_ =	swait.ge [sflag:s14], $0xA0  }
0x34: {  	[sflag:s14] =	ssyncset.done $0x0  }
0x35: {  	[sflag:s14] =	ssyncadd.s32 $0xFFFFFF60  }
0x36: {  	[tilespmem:s18], [sflag:$0x2] =	stream.indirect.gather [hbm4b:s3+s15], $0x80, s17, s15, $0xb8;
	[tilespmem:$0xA200] =	vst v63  }
0x37: {  	_ =	swait.ge [sflag:s19], $0x5000  }
0x38: {  	[sflag:s19] =	ssyncset.done $0x0  }
0x39: {  	[sflag:s19] =	ssyncadd.s32 $0xFFFFB000  }
0x3a: {  	[hbm4b:s12+s2] =	stream.linear.scatter [tilespmem:s16], [sflag:$0x3], $0x5000, $0x38;
	[tilespmem:$0xA200] =	vst v63  }
0x3b: {  	_ =	swait.ge [sflag:s20], $0x5000  }
0x3c: {  	[sflag:s20] =	ssyncset.done $0x0  }
0x3d: {  	s31 =	sadd.s32 $0x0, s11;
	[sflag:s20] =	ssyncadd.s32 $0xFFFFB000  }
0x3e: {  	[tilespmem:s2], [sflag:$0x5] =	stream.linear.gather [hbm4b:s31+s2], $0xA0, $0x38;
	[tilespmem:$0xA200] =	vst v63  }
0x3f: {  	_ =	swait.ge [sflag:s14], $0xA0  }
0x40: {  	[sflag:s14] =	ssyncset.done $0x0  }
0x41: {  	s25 =	sadd.s32 $0x1400, s12;
	s24 =	simm.s32 $0x28;
	[sflag:s14] =	ssyncadd.s32 $0xFFFFFF60  }
.LBB2_2:
0x42: {  	[tilespmem:s16], [sflag:$0x1] =	stream.indirect.gather [hbm4b:s3+s15], $0x80, s2, s15, $0xb8;
	[tilespmem:$0xA200] =	vst v63  }
0x43: {  	s26 =	smov.u32 s24  }
0x44: {  	p0 =	sne.s32 s24, $0x578;
	s24 =	sadd.s32 $0x28, s24;
	_ =	swait.ge [sflag:s21], $0x5000  }
0x45: {  	[sflag:s21] =	ssyncset.done $0x0  }
0x46: {  	s28 =	sadd.s32 $0xFFFFF600, s25;
	[sflag:s21] =	ssyncadd.s32 $0xFFFFB000  }
0x47: {  	[hbm4b:s28+s2] =	stream.linear.scatter [tilespmem:s18], [sflag:$0x4], $0x5000, $0x38;
	[tilespmem:$0xA200] =	vst v63  }
0x48: {  	_ =	swait.ge [sflag:s22], $0x5000  }
0x49: {  	[sflag:s22] =	ssyncset.done $0x0  }
0x4a: {  	s28 =	sadd.s32 s26, s13;
	[sflag:s22] =	ssyncadd.s32 $0xFFFFB000  }
0x4b: {  	[tilespmem:s17], [sflag:$0x5] =	stream.linear.gather [hbm4b:s28+s2], $0xA0, $0x38;
	[tilespmem:$0xA200] =	vst v63  }
0x4c: {  	_ =	swait.ge [sflag:s14], $0xA0  }
0x4d: {  	[sflag:s14] =	ssyncset.done $0x0  }
0x4e: {  	[sflag:s14] =	ssyncadd.s32 $0xFFFFFF60  }
0x4f: {  	[tilespmem:s18], [sflag:$0x2] =	stream.indirect.gather [hbm4b:s3+s15], $0x80, s17, s15, $0xb8;
	[tilespmem:$0xA200] =	vst v63  }
0x50: {  	_ =	swait.ge [sflag:s19], $0x5000  }
0x51: {  	[sflag:s19] =	ssyncset.done $0x0  }
0x52: {  	[sflag:s19] =	ssyncadd.s32 $0xFFFFB000  }
0x53: {  	[hbm4b:s25+s2] =	stream.linear.scatter [tilespmem:s16], [sflag:$0x3], $0x5000, $0x38;
	[tilespmem:$0xA200] =	vst v63  }
0x54: {  	_ =	swait.ge [sflag:s20], $0x5000  }
0x55: {  	[sflag:s20] =	ssyncset.done $0x0  }
.Ltmp0:
0x56: {  	s26 =	sadd.s32 s26, s11;
	[sflag:s20] =	ssyncadd.s32 $0xFFFFB000;
	(pc) =	sbr.rel @p0 .LBB2_2-.Ltmp0, $4  }
0x57: {  	[tilespmem:s2], [sflag:$0x5] =	stream.linear.gather [hbm4b:s26+s2], $0xA0, $0x38;
	[tilespmem:$0xA200] =	vst v63  }
0x58: {  	_ =	swait.ge [sflag:s14], $0xA0  }
0x59: {  	[sflag:s14] =	ssyncset.done $0x0  }
0x5a: {  	s25 =	sadd.s32 $0x1400, s25;
	[sflag:s14] =	ssyncadd.s32 $0xFFFFFF60  }
0x5b: {  	[tilespmem:s16], [sflag:$0x1] =	stream.indirect.gather [hbm4b:s3+s15], $0x80, s2, s15, $0xb8;
	[tilespmem:$0xA200] =	vst v63  }
0x5c: {  	_ =	swait.ge [sflag:s21], $0x5000  }
0x5d: {  	[sflag:s21] =	ssyncset.done $0x0  }
0x5e: {  	[sflag:s21] =	ssyncadd.s32 $0xFFFFB000  }
0x5f: {  	[hbm4b:s8+s2] =	stream.linear.scatter [tilespmem:s18], [sflag:$0x4], $0x5000, $0x38;
	[tilespmem:$0xA200] =	vst v63  }
0x60: {  	_ =	swait.ge [sflag:s19], $0x5000  }
0x61: {  	[sflag:s19] =	ssyncset.done $0x0  }
0x62: {  	s23 =	sadd.s32 $0x1, s23;
	[sflag:s19] =	ssyncadd.s32 $0xFFFFB000  }
0x63: {  	[hbm4b:s9+s2] =	stream.linear.scatter [tilespmem:s16], [sflag:$0x3], $0x5000, $0x38;
	[tilespmem:$0xA200] =	vst v63  }
0x64: {  	p0 =	sne.s32 s23, s10;
	_ =	swait.ge [sflag:s22], $0x5000  }
.Ltmp1:
0x65: {  	[sflag:s22] =	ssyncset.done $0x0;
	(pc) =	sbr.rel @p0 .LBB2_1-.Ltmp1, $4  }
0x66: {  	[sflag:s22] =	ssyncadd.s32 $0xFFFFB000  }
0x67: {  	_ =	swait.ge [sflag:s20], $0x5000  }
0x68: {  	[sflag:s20] =	ssyncset.done $0x0  }
0x69: {  	[sflag:s20] =	ssyncadd.s32 $0xFFFFB000  }
0x6a: {  	_ =	sfence.sel $0x180000  }
0x6b: {  	[bflag:$0x0] =	sbarrier.arrive $0xFFFF  }
0x6c: {  	p0 =	sne.s32 s1, $0x0;
	_ =	strace $0x9000004D  }
0x6d: {  	s0 =	sadd.s32 @!p0 $0x100000, s0;
	[bflag:$0x2] =	sbarrier.arrive $0xFFFF  }
0x6e: {  	[sflag:s0] =	ssyncadd.tile.s32 @!p0 $0x1;
	_ =	shalt  }
.Lfunc_end2:
_tile_overlayer_lowered:
.L_overlay_start_2:
0x6f: {  	(tag) =	ssettag $0x2  }
0x70: {  	s0 =	rddreg [dreg:$0x0];
	s2 =	stileid.u32  }
0x71: {  	s1 =	rddreg [dreg:$0x1];
	p0 =	sne.s32 s2, $0x0  }
0x72: {  	s3 =	rddreg [dreg:$0x2];
	[bflag:$0x3] =	sbarrier.arrive $0xFFFF;
	s2 =	simm.s32 @!p0 $0x1C05  }
0x73: {  	[timem:s3], [sflag:s2] =	dma.local @!p0 [hbm:s0], s1  }
0x74: {  	s0 =	simm.s32 @!p0 $0x5  }
0x75: {  	_ =	swait.ge @!p0 [sflag:s0], s1  }
0x76: {  	s1 =	ssub.s32 @!p0 $0x0, s1;
	[sflag:s0] =	ssyncset.done @!p0 $0x0  }
0x77: {  	[sflag:s0] =	ssyncadd.s32 @!p0 s1  }
0x78: {  	[bflag:$0x3] =	sbarrier.arrive $0xFFFF  }
0x79: {  	_ =	shalt  }

// kernel: kernel.16.cloned.1.call-start
scs
__scs_entry_jumppad:
0x0: {  	(pc) =	sbr.rel $0x88, $3  }
0x1: {  	(tag) =	ssettag $0x0;
	lr =	simm.s32 $0x1  }
0x2: {  	[smem:$0x3F8B] =	sst lr;
	_ =	strace $0xD0000000  }
0x3: {  	_ = 	snop  }
0x4: {  	_ = 	snop  }
0x5: {  	_ = 	snop  }
0x6: {  	_ = 	snop  }
0x7: {  	_ = 	snop  }
__scs_overlays_trampoline_lowered:
0x8: {  	[smem:$0x3F9A] =	sst s0  }
0x9: {  	[smem:$0x3F9B] =	sst s1  }
0xa: {  	[smem:$0x3F9C] =	sst s2  }
0xb: {  	[smem:$0x3F9D] =	sst s3  }
0xc: {  	[smem:$0x3F9E] =	sst s4  }
0xd: {  	[smem:$0x3F9F] =	sst s5  }
0xe: {  	[smem:$0x3FA0] =	sst s6  }
0xf: {  	[smem:$0x3FA1] =	sst s7  }
0x10: {  	[smem:$0x3FA2] =	sst s8  }
0x11: {  	[smem:$0x3FA3] =	sst s9;
	s0 =	simm.s32 @!p0 $0x0  }
0x12: {  	s1 =	sld [smem:$0x3F89];
	s0 =	simm.s32 @p0 $0x1  }
0x13: {  	[smem:$0x3FA4] =	sst s0;
	s0 =	simm.s32 @!p1 $0x0  }
0x14: {  	s2 =	sld [smem:$0x3F88];
	s0 =	simm.s32 @p1 $0x1  }
0x15: {  	[smem:$0x3FA5] =	sst s0;
	s0 =	simm.s32 @!p2 $0x0  }
0x16: {  	s3 =	sld [smem:$0x3FDB];
	s0 =	simm.s32 @p2 $0x1  }
0x17: {  	s4 =	simm.s32 $0x1BF5;
	[smem:$0x3FA7] =	sst s0  }
0x18: {  	s0 =	sld [smem:$0x3F8A];
	_ =	swait.ge [sflag:s4], $0x0  }
0x19: {  	s7 =	sld [smem:$0x3F8B]  }
0x1a: {  	s8 =	sadd.s32 $0xFFFFE003, lr  }
0x1b: {  	s9 =	sadd.s32 $0xFFFFFEF7, lr;
	s5 =	simm.s32 $0xFFFFFFFF;
	p2 =	slt.u32 s8, $0xFFFFF086  }
0x1c: {  	p1 =	slt.u32 s9, $0xF7A;
	s5 =	simm.s32 @!p2 $0x0  }
0x1d: {  	s5 =	simm.s32 @p1 $0x1;
	p0 =	seq.s32 s7, s2  }
0x1e: {  	s7 =	smul.u32 @!p0 $0xF7A, s2;
	p2 =	seq.s32 @!p0 s5, $0x0  }
0x1f: {  	s9 =	smul.u32 $0xF7A, s1;
	s8 =	simm.s32 @!p0 $0x1BF5;
	p2 =	por !p2, p0  }
0x20: {  	[sflag:s8] =	ssyncset.s32 @!p0 $0xFFFFF086;
	s6 =	sadd.s32 @!p0 s3, s7;
	s7 =	simm.s32 @!p0 $0x108  }
0x21: {  	s3 =	sadd.s32 s3, s9;
	s6 =	sadd.s32 @!p0 $0x88, s6;
	s7 =	simm.s32 @p2 $0x1082  }
0x22: {  	[simem:s7], [sflag:s8] =	dma.local @!p0 [hbm:s6], $0xF7A  }
0x23: {  	s9 =	sor.u32 $0xD0000000, s2;
	s6 =	simm.s32 $0x108;
	_ =	swait.ge @!p0 [sflag:s8], $0x0  }
0x24: {  	s3 =	sadd.s32 $0x88, s3;
	s6 =	simm.s32 @!p1 $0x1082;
	[sflag:s4] =	ssyncset.s32 $0xFFFFF086  }
0x25: {  	[simem:s6], [sflag:s4] =	dma.local [hbm:s3], $0xF7A  }
0x26: {  	[smem:$0x3F8B] =	sst s1;
	(tag) =	ssettag s2;
	_ =	strace s9  }
0x27: {  	s1 =	sld [smem:$0x3F9B]  }
0x28: {  	s2 =	sld [smem:$0x3F9C]  }
0x29: {  	s4 =	sld [smem:$0x3F9E]  }
0x2a: {  	p0 =	seq.s32 s5, $0x0;
	s5 =	sld [smem:$0x3F9F]  }
0x2b: {  	s6 =	sld [smem:$0x3FA0]  }
0x2c: {  	s7 =	sld [smem:$0x3FA1]  }
0x2d: {  	s3 =	simm.s32 $0x108;
	s8 =	sld [smem:$0x3FA2]  }
0x2e: {  	s3 =	simm.s32 @!p0 $0x1082;
	s9 =	sld [smem:$0x3FA3]  }
0x2f: {  	lr =	sadd.s32 s0, s3;
	s0 =	sld [smem:$0x3F9A]  }
0x30: {  	s3 =	sld [smem:$0x3F9D]  }
0x31: {  	[smem:$0x3FA6] =	sst s10  }
0x32: {  	s10 =	sld [smem:$0x3FA4];
	_ =	sdelay $0x3  }
0x33: {  	p0 =	seq.s32 s10, $0x1;
	s10 =	sld [smem:$0x3FA6];
	_ =	sdelay $0x3  }
0x34: {  	[smem:$0x3FA6] =	sst s10  }
0x35: {  	s10 =	sld [smem:$0x3FA5];
	_ =	sdelay $0x3  }
0x36: {  	p1 =	seq.s32 s10, $0x1;
	s10 =	sld [smem:$0x3FA6];
	_ =	sdelay $0x3  }
0x37: {  	[smem:$0x3FA6] =	sst s10  }
0x38: {  	s10 =	sld [smem:$0x3FA7]  }
0x39: {  	_ = 	snop;
	(pc) =	sbr.ind lr, $3  }
0x3a: {  	_ = 	snop  }
0x3b: {  	_ = 	snop  }
0x3c: {  	p2 =	seq.s32 s10, $0x1;
	s10 =	sld [smem:$0x3FA6]  }
0x3d: {  	_ =	shalt  }
0x3e: {  	_ =	shalt  }
0x3f: {  	_ =	shalt  }
0x40: {  	_ =	shalt  }
0x41: {  	_ =	shalt  }
0x42: {  	_ =	shalt  }
0x43: {  	_ =	shalt  }
0x44: {  	_ =	shalt  }
0x45: {  	_ =	shalt  }
0x46: {  	_ =	shalt  }
0x47: {  	_ =	shalt  }
0x48: {  	_ =	shalt  }
0x49: {  	_ =	shalt  }
0x4a: {  	_ =	shalt  }
0x4b: {  	_ =	shalt  }
0x4c: {  	_ =	shalt  }
0x4d: {  	_ =	shalt  }
0x4e: {  	_ =	shalt  }
0x4f: {  	_ =	shalt  }
0x50: {  	_ =	shalt  }
0x51: {  	_ =	shalt  }
0x52: {  	_ =	shalt  }
0x53: {  	_ =	shalt  }
0x54: {  	_ =	shalt  }
0x55: {  	_ =	shalt  }
0x56: {  	_ =	shalt  }
0x57: {  	_ =	shalt  }
0x58: {  	_ =	shalt  }
0x59: {  	_ =	shalt  }
0x5a: {  	_ =	shalt  }
0x5b: {  	_ =	shalt  }
0x5c: {  	_ =	shalt  }
0x5d: {  	_ =	shalt  }
0x5e: {  	_ =	shalt  }
0x5f: {  	_ =	shalt  }
0x60: {  	_ =	shalt  }
0x61: {  	_ =	shalt  }
0x62: {  	_ =	shalt  }
0x63: {  	_ =	shalt  }
0x64: {  	_ =	shalt  }
0x65: {  	_ =	shalt  }
0x66: {  	_ =	shalt  }
0x67: {  	_ =	shalt  }
0x68: {  	_ =	shalt  }
0x69: {  	_ =	shalt  }
0x6a: {  	_ =	shalt  }
0x6b: {  	_ =	shalt  }
0x6c: {  	_ =	shalt  }
0x6d: {  	_ =	shalt  }
0x6e: {  	_ =	shalt  }
0x6f: {  	_ =	shalt  }
0x70: {  	_ =	shalt  }
0x71: {  	_ =	shalt  }
0x72: {  	_ =	shalt  }
0x73: {  	_ =	shalt  }
0x74: {  	_ =	shalt  }
0x75: {  	_ =	shalt  }
0x76: {  	_ =	shalt  }
0x77: {  	_ =	shalt  }
0x78: {  	_ =	shalt  }
0x79: {  	_ =	shalt  }
0x7a: {  	_ =	shalt  }
0x7b: {  	_ =	shalt  }
0x7c: {  	_ =	shalt  }
0x7d: {  	_ =	shalt  }
0x7e: {  	_ =	shalt  }
0x7f: {  	_ =	shalt  }
0x80: {  	_ =	shalt  }
0x81: {  	_ =	shalt  }
0x82: {  	_ =	shalt  }
0x83: {  	_ =	shalt  }
0x84: {  	_ =	shalt  }
0x85: {  	_ =	shalt  }
0x86: {  	_ =	shalt  }
0x87: {  	_ =	shalt  }
.Lfunc_end0:
.L_simem_size_0:
called_computation.2_lowered:
.L_overlay_start_0:
0x88: {  	s2 =	sld [smem:$0x3FD9]  }
0x89: {  	s3 =	sld [smem:$0x3FFE];
	_ =	sdelay $0x1  }
0x8a: {  	s1 =	srdreg.scid  }
0x8b: {  	s0 =	sand.u32 $0x1, s1  }
0x8c: {  	s16 =	sshll.u32 s0, $0xA;
	s2 =	sadd.s32 s3, s2  }
0x8d: {  	s2 =	sadd.s32 s2, s16  }
0x8e: {  	[smem:$0x3FB2] =	sst s2  }
0x8f: {  	_ = 	snop  }
0x90: {  	(tm) =	ssettm $0x1  }
0x91: {  	s17 =	sld [smem:$0x3FFB];
	_ =	sdelay $0x3  }
0x92: {  	_ =	strace s17  }
0x93: {  	s2 =	sld [smem:$0x3FFC];
	_ =	sdelay $0x3  }
0x94: {  	_ =	strace s2  }
0x95: {  	s2 =	sld [smem:$0x3FFD];
	_ =	sdelay $0x3  }
0x96: {  	_ =	strace s2  }
0x97: {  	_ =	strace $0x8FFFFFFF  }
0x98: {  	s18 =	sld [smem:$0x3FDB];
	_ =	sdelay $0x1  }
0x99: {  	s19 =	simm.s32 $_scs_section_size  }
0x9a: {  	s4 =	simm.s32 $_size__tile_overlayer_lowered;
	s5 =	simm.s32 $_tile_overlayer_lowered  }
0x9b: {  	s22 =	simm.s32 $0x1BFF;
	s21 =	sshll.u32 s5, $0x1;
	s2 =	sadd.s32 s19, s18  }
0x9c: {  	s6 =	simm.s32 $0x0;
	s20 =	sshll.u32 s4, $0x1;
	s4 =	sadd.s32 s21, s2  }
0x9d: {  	[timem:s6], [sflag:s22] =	dma.local [hbm:s4], s20  }
0x9e: {  	_ =	swait.ge [sflag:s22], s20  }
0x9f: {  	s3 =	ssub.s32 $0x0, s20;
	[sflag:s22] =	ssyncset.done $0x0  }
0xa0: {  	[sflag:s22] =	ssyncadd.s32 s3;
	_ =	sdelay $0x1  }
0xa1: {  	s23 =	simm.s32 $0x1B8B  }
0xa2: {  	_ =	swait.ge [sflag:s23], $0x1  }
0xa3: {  	[sflag:s23] =	ssyncset.done $0x0  }
0xa4: {  	s25 =	simm.s32 $0x1B8E;
	s24 =	sld [smem:$0x3FFE];
	[sflag:s23] =	ssyncadd.s32 $0xFFFFFFFF  }
0xa5: {  	s26 =	simm.s32 $execute0_lowered;
	[smem:$0x3FD2] =	sst s25  }
0xa6: {  	s4 =	sshll.u32 s26, $0x1;
	_ =	strace $0x80000049;
	[dreg:$0x1] =	wrdreg $0xFFFFFFFF  }
0xa7: {  	s28 =	simm.s32 $_size_execute0_lowered;
	s2 =	sadd.s32 s2, s4;
	[dreg:$0x0] =	wrdreg $0x0  }
0xa8: {  	s4 =	sshll.u32 s28, $0x1;
	[dreg:$0x2] =	wrdreg s2  }
0xa9: {  	[dreg:$0x3] =	wrdreg s4  }
0xaa: {  	[dreg:$0x4] =	wrdreg $0xC0  }
0xab: {  	_ =	task [dreg:s6], $0x5FFFF  }
0xac: {  	[dreg:$0x1] =	wrdreg $0xFFFFFFFF  }
0xad: {  	[dreg:$0x0] =	wrdreg $0x60  }
0xae: {  	[dreg:$0x2] =	wrdreg s24  }
0xaf: {  	[dreg:$0x3] =	wrdreg $0xA  }
0xb0: {  	_ =	task.clear_ibuf [dreg:s6], $0x4FFFF;
	_ =	strace $0x90000049  }
0xb1: {  	s29 =	simm.s32 $0xA;
	_ =	strace $0x8000004B  }
0xb2: {  	_ =	swait.ge [sflag:s29], $0x1  }
0xb3: {  	[sflag:s29] =	ssyncadd.s32 $0xFFFFFFFF  }
0xb4: {  	_ =	strace $0x9000004B  }
0xb5: {  	_ =	sfence  }
0xb6: {  	s30 =	sld [smem:$0x0];
	_ =	sdelay $0x2  }
0xb7: {  	s31 =	sshll.u32 s1, $0xD;
	s1 =	sshrl.u32 s1, $0x2  }
0xb8: {  	s3 =	sand.u32 $0x4000, s31;
	s1 =	sadd.s32 s1, s30  }
0xb9: {  	s0 =	sor.u32 s3, s0;
	s1 =	sshll.u32 s1, $0x11  }
0xba: {  	s0 =	sor.u32 s1, s0  }
0xbb: {  	s0 =	sadd.s32 $0x8F2B, s0  }
0xbc: {  	[sflag:s0] =	ssyncadd.remote.s32 $0x1  }
0xbd: {  	_ =	sfence.sel $0xFFFF  }
0xbe: {  	[dreg:$0x0] =	wrdreg $0xFFFFFFFF;
	(pc) =	sbr.abs _section_cstart, $3  }
0xbf: {  	[dreg:$0x1] =	wrdreg $0xFFFFFFFF  }
0xc0: {  	_ =	task.clear_ibuf [dreg:s6], $0x2FFFF;
	_ =	strace $0x9FFFFFFF  }
0xc1: {  	(tm) =	ssettm $0x7FFFFFFF  }
tec
execute0_lowered:
.L_overlay_start_1:
0x0: {  	(tag) =	ssettag $0x1  }
0x1: {  	s4 =	rddreg [dreg:$0x0]  }
0x2: {  	s0 =	rddreg [dreg:$0x1];
	s2 =	simm.s32 $0x0;
	s3 =	srdreg.scid  }
0x3: {  	s1 =	stileid.u32;
	s18 =	simm.s32 $0x6600;
	s19 =	simm.s32 $0x1  }
0x4: {  	s20 =	simm.s32 $0x3;
	s21 =	simm.s32 $0x2;
	s14 =	smul.u32 $0x6590, s1  }
0x5: {  	s22 =	simm.s32 $0x4;
	s11 =	sand.u32 $0x1, s3;
	s30 =	smul.u32 $0x65900, s1  }
0x6: {  	s23 =	simm.s32 $0x0;
	s24 =	sshll.u32 s1, $0x1;
	s15 =	smul.u32 $0x32C8, s11  }
0x7: {  	[smem:$0x7FF] =	sst s2;
	s5 =	sor.u32 s11, s24;
	s17 =	smul.u32 $0x32C80, s11  }
0x8: {  	s3 =	sadd.s32 $0x43600, s4;
	s13 =	sadd.s32 $0x36600, s4;
	s7 =	smul.u32 $0x32C8, s5  }
0x9: {  	s12 =	sadd.s32 $0x784200, s4;
	s6 =	ssub.s32 $0x2, s11;
	s28 =	smul.u32 $0x196400, s5  }
0xa: {  	_ =	strace $0x8000004A;
	s25 =	sshrl.u32 s6, $0x1;
	s8 =	smul.u32 $0x32C80, s5  }
0xb: {  	s10 =	ssub.s32 s6, s25;
	s14 =	sadd.s32 s15, s14;
	s15 =	simm.s32 $0xC8  }
0xc: {  	s26 =	sshrl.u32 s7, $0x3;
	s7 =	sadd.s32 $0xC8, s7;
	s6 =	sshrl.u32 s28, $0x3  }
0xd: {  	s10 =	smax.u32 s10, $0x1;
	s16 =	sadd.s32 $0x320, s14;
	s14 =	sadd.s32 $0x258, s14  }
0xe: {  	s4 =	sadd.s32 s13, s26;
	s29 =	sshrl.u32 s7, $0x3;
	s9 =	sadd.s32 s12, s6  }
0xf: {  	s6 =	sadd.s32 s12, s8;
	s31 =	sshrl.u32 s16, $0x3;
	s12 =	sadd.s32 s30, s12  }
0x10: {  	s14 =	sshrl.u32 s14, $0x3;
	s16 =	simm.s32 $0x200;
	s5 =	sadd.s32 s13, s29  }
0x11: {  	s7 =	sadd.s32 $0x32, s4;
	s8 =	sadd.s32 $0x31380, s9;
	s9 =	sadd.s32 $0x32000, s9  }
0x12: {  	s11 =	sadd.s32 s31, s13;
	s12 =	sadd.s32 s17, s12;
	s13 =	sadd.s32 s14, s13  }
0x13: {  	s14 =	simm.s32 $0x5;
	s17 =	simm.s32 $0x100;
	s12 =	sadd.s32 $0x1900, s12  }
.LBB2_1:
0x14: {  	[tilespmem:s2], [sflag:$0x5] =	stream.linear.gather [hbm4b:s4+s2], $0xC8, $0x38;
	[tilespmem:$0xCA00] =	vst v63  }
0x15: {  	_ =	swait.ge [sflag:s14], $0xC8  }
0x16: {  	[sflag:s14] =	ssyncset.done $0x0  }
0x17: {  	[sflag:s14] =	ssyncadd.s32 $0xFFFFFF38  }
0x18: {  	[tilespmem:s16], [sflag:$0x1] =	stream.indirect.gather [hbm4b:s3+s15], $0x80, s2, s15, $0xb8;
	[tilespmem:$0xCA00] =	vst v63  }
0x19: {  	_ = 	snop  }
0x1a: {  	[tilespmem:s17], [sflag:$0x5] =	stream.linear.gather [hbm4b:s5+s2], $0xC8, $0x38;
	[tilespmem:$0xCA00] =	vst v63  }
0x1b: {  	_ =	swait.ge [sflag:s14], $0xC8  }
0x1c: {  	[sflag:s14] =	ssyncset.done $0x0  }
0x1d: {  	[sflag:s14] =	ssyncadd.s32 $0xFFFFFF38  }
0x1e: {  	[tilespmem:s18], [sflag:$0x2] =	stream.indirect.gather [hbm4b:s3+s15], $0x80, s17, s15, $0xb8;
	[tilespmem:$0xCA00] =	vst v63  }
0x1f: {  	_ =	swait.ge [sflag:s19], $0x6400  }
0x20: {  	[sflag:s19] =	ssyncset.done $0x0  }
0x21: {  	[sflag:s19] =	ssyncadd.s32 $0xFFFF9C00  }
0x22: {  	[hbm4b:s6+s2] =	stream.linear.scatter [tilespmem:s16], [sflag:$0x3], $0x6400, $0x38;
	[tilespmem:$0xCA00] =	vst v63  }
0x23: {  	_ =	swait.ge [sflag:s20], $0x6400  }
0x24: {  	[sflag:s20] =	ssyncset.done $0x0  }
0x25: {  	[sflag:s20] =	ssyncadd.s32 $0xFFFF9C00  }
0x26: {  	[tilespmem:s2], [sflag:$0x5] =	stream.linear.gather [hbm4b:s7+s2], $0xC8, $0x38;
	[tilespmem:$0xCA00] =	vst v63  }
0x27: {  	_ =	swait.ge [sflag:s14], $0xC8  }
0x28: {  	[sflag:s14] =	ssyncset.done $0x0  }
0x29: {  	[sflag:s14] =	ssyncadd.s32 $0xFFFFFF38  }
0x2a: {  	[tilespmem:s16], [sflag:$0x1] =	stream.indirect.gather [hbm4b:s3+s15], $0x80, s2, s15, $0xb8;
	[tilespmem:$0xCA00] =	vst v63  }
0x2b: {  	_ =	swait.ge [sflag:s21], $0x6400  }
0x2c: {  	[sflag:s21] =	ssyncset.done $0x0  }
0x2d: {  	s24 =	sadd.s32 $0xFFFFF380, s12;
	[sflag:s21] =	ssyncadd.s32 $0xFFFF9C00  }
0x2e: {  	[hbm4b:s24+s2] =	stream.linear.scatter [tilespmem:s18], [sflag:$0x4], $0x6400, $0x38;
	[tilespmem:$0xCA00] =	vst v63  }
0x2f: {  	_ =	swait.ge [sflag:s22], $0x6400  }
0x30: {  	[sflag:s22] =	ssyncset.done $0x0  }
0x31: {  	s30 =	sadd.s32 $0x0, s13;
	[sflag:s22] =	ssyncadd.s32 $0xFFFF9C00  }
0x32: {  	[tilespmem:s17], [sflag:$0x5] =	stream.linear.gather [hbm4b:s30+s2], $0xC8, $0x38;
	[tilespmem:$0xCA00] =	vst v63  }
0x33: {  	_ =	swait.ge [sflag:s14], $0xC8  }
0x34: {  	[sflag:s14] =	ssyncset.done $0x0  }
0x35: {  	[sflag:s14] =	ssyncadd.s32 $0xFFFFFF38  }
0x36: {  	[tilespmem:s18], [sflag:$0x2] =	stream.indirect.gather [hbm4b:s3+s15], $0x80, s17, s15, $0xb8;
	[tilespmem:$0xCA00] =	vst v63  }
0x37: {  	_ =	swait.ge [sflag:s19], $0x6400  }
0x38: {  	[sflag:s19] =	ssyncset.done $0x0  }
0x39: {  	[sflag:s19] =	ssyncadd.s32 $0xFFFF9C00  }
0x3a: {  	[hbm4b:s12+s2] =	stream.linear.scatter [tilespmem:s16], [sflag:$0x3], $0x6400, $0x38;
	[tilespmem:$0xCA00] =	vst v63  }
0x3b: {  	_ =	swait.ge [sflag:s20], $0x6400  }
0x3c: {  	[sflag:s20] =	ssyncset.done $0x0  }
0x3d: {  	s31 =	sadd.s32 $0x0, s11;
	[sflag:s20] =	ssyncadd.s32 $0xFFFF9C00  }
0x3e: {  	[tilespmem:s2], [sflag:$0x5] =	stream.linear.gather [hbm4b:s31+s2], $0xC8, $0x38;
	[tilespmem:$0xCA00] =	vst v63  }
0x3f: {  	_ =	swait.ge [sflag:s14], $0xC8  }
0x40: {  	[sflag:s14] =	ssyncset.done $0x0  }
0x41: {  	s25 =	sadd.s32 $0x1900, s12;
	s24 =	simm.s32 $0x32;
	[sflag:s14] =	ssyncadd.s32 $0xFFFFFF38  }
.LBB2_2:
0x42: {  	[tilespmem:s16], [sflag:$0x1] =	stream.indirect.gather [hbm4b:s3+s15], $0x80, s2, s15, $0xb8;
	[tilespmem:$0xCA00] =	vst v63  }
0x43: {  	s26 =	smov.u32 s24  }
0x44: {  	p0 =	sne.s32 s24, $0x5DC;
	s24 =	sadd.s32 $0x32, s24;
	_ =	swait.ge [sflag:s21], $0x6400  }
0x45: {  	[sflag:s21] =	ssyncset.done $0x0  }
0x46: {  	s28 =	sadd.s32 $0xFFFFF380, s25;
	[sflag:s21] =	ssyncadd.s32 $0xFFFF9C00  }
0x47: {  	[hbm4b:s28+s2] =	stream.linear.scatter [tilespmem:s18], [sflag:$0x4], $0x6400, $0x38;
	[tilespmem:$0xCA00] =	vst v63  }
0x48: {  	_ =	swait.ge [sflag:s22], $0x6400  }
0x49: {  	[sflag:s22] =	ssyncset.done $0x0  }
0x4a: {  	s28 =	sadd.s32 s26, s13;
	[sflag:s22] =	ssyncadd.s32 $0xFFFF9C00  }
0x4b: {  	[tilespmem:s17], [sflag:$0x5] =	stream.linear.gather [hbm4b:s28+s2], $0xC8, $0x38;
	[tilespmem:$0xCA00] =	vst v63  }
0x4c: {  	_ =	swait.ge [sflag:s14], $0xC8  }
0x4d: {  	[sflag:s14] =	ssyncset.done $0x0  }
0x4e: {  	[sflag:s14] =	ssyncadd.s32 $0xFFFFFF38  }
0x4f: {  	[tilespmem:s18], [sflag:$0x2] =	stream.indirect.gather [hbm4b:s3+s15], $0x80, s17, s15, $0xb8;
	[tilespmem:$0xCA00] =	vst v63  }
0x50: {  	_ =	swait.ge [sflag:s19], $0x6400  }
0x51: {  	[sflag:s19] =	ssyncset.done $0x0  }
0x52: {  	[sflag:s19] =	ssyncadd.s32 $0xFFFF9C00  }
0x53: {  	[hbm4b:s25+s2] =	stream.linear.scatter [tilespmem:s16], [sflag:$0x3], $0x6400, $0x38;
	[tilespmem:$0xCA00] =	vst v63  }
0x54: {  	_ =	swait.ge [sflag:s20], $0x6400  }
0x55: {  	[sflag:s20] =	ssyncset.done $0x0  }
.Ltmp0:
0x56: {  	s26 =	sadd.s32 s26, s11;
	[sflag:s20] =	ssyncadd.s32 $0xFFFF9C00;
	(pc) =	sbr.rel @p0 .LBB2_2-.Ltmp0, $4  }
0x57: {  	[tilespmem:s2], [sflag:$0x5] =	stream.linear.gather [hbm4b:s26+s2], $0xC8, $0x38;
	[tilespmem:$0xCA00] =	vst v63  }
0x58: {  	_ =	swait.ge [sflag:s14], $0xC8  }
0x59: {  	[sflag:s14] =	ssyncset.done $0x0  }
0x5a: {  	s25 =	sadd.s32 $0x1900, s25;
	[sflag:s14] =	ssyncadd.s32 $0xFFFFFF38  }
0x5b: {  	[tilespmem:s16], [sflag:$0x1] =	stream.indirect.gather [hbm4b:s3+s15], $0x80, s2, s15, $0xb8;
	[tilespmem:$0xCA00] =	vst v63  }
0x5c: {  	_ =	swait.ge [sflag:s21], $0x6400  }
0x5d: {  	[sflag:s21] =	ssyncset.done $0x0  }
0x5e: {  	[sflag:s21] =	ssyncadd.s32 $0xFFFF9C00  }
0x5f: {  	[hbm4b:s8+s2] =	stream.linear.scatter [tilespmem:s18], [sflag:$0x4], $0x6400, $0x38;
	[tilespmem:$0xCA00] =	vst v63  }
0x60: {  	_ =	swait.ge [sflag:s19], $0x6400  }
0x61: {  	[sflag:s19] =	ssyncset.done $0x0  }
0x62: {  	s23 =	sadd.s32 $0x1, s23;
	[sflag:s19] =	ssyncadd.s32 $0xFFFF9C00  }
0x63: {  	[hbm4b:s9+s2] =	stream.linear.scatter [tilespmem:s16], [sflag:$0x3], $0x6400, $0x38;
	[tilespmem:$0xCA00] =	vst v63  }
0x64: {  	p0 =	sne.s32 s23, s10;
	_ =	swait.ge [sflag:s22], $0x6400  }
.Ltmp1:
0x65: {  	[sflag:s22] =	ssyncset.done $0x0;
	(pc) =	sbr.rel @p0 .LBB2_1-.Ltmp1, $4  }
0x66: {  	[sflag:s22] =	ssyncadd.s32 $0xFFFF9C00  }
0x67: {  	_ =	swait.ge [sflag:s20], $0x6400  }
0x68: {  	[sflag:s20] =	ssyncset.done $0x0  }
0x69: {  	[sflag:s20] =	ssyncadd.s32 $0xFFFF9C00  }
0x6a: {  	_ =	sfence.sel $0x180000  }
0x6b: {  	[bflag:$0x0] =	sbarrier.arrive $0xFFFF  }
0x6c: {  	p0 =	sne.s32 s1, $0x0;
	_ =	strace $0x9000004A  }
0x6d: {  	s0 =	sadd.s32 @!p0 $0x100000, s0;
	[bflag:$0x2] =	sbarrier.arrive $0xFFFF  }
0x6e: {  	[sflag:s0] =	ssyncadd.tile.s32 @!p0 $0x1;
	_ =	shalt  }
.Lfunc_end2:
_tile_overlayer_lowered:
.L_overlay_start_2:
0x6f: {  	(tag) =	ssettag $0x2  }
0x70: {  	s0 =	rddreg [dreg:$0x0];
	s2 =	stileid.u32  }
0x71: {  	s1 =	rddreg [dreg:$0x1];
	p0 =	sne.s32 s2, $0x0  }
0x72: {  	s3 =	rddreg [dreg:$0x2];
	[bflag:$0x3] =	sbarrier.arrive $0xFFFF;
	s2 =	simm.s32 @!p0 $0x1C05  }
0x73: {  	[timem:s3], [sflag:s2] =	dma.local @!p0 [hbm:s0], s1  }
0x74: {  	s0 =	simm.s32 @!p0 $0x5  }
0x75: {  	_ =	swait.ge @!p0 [sflag:s0], s1  }
0x76: {  	s1 =	ssub.s32 @!p0 $0x0, s1;
	[sflag:s0] =	ssyncset.done @!p0 $0x0  }
0x77: {  	[sflag:s0] =	ssyncadd.s32 @!p0 s1  }
0x78: {  	[bflag:$0x3] =	sbarrier.arrive $0xFFFF  }
0x79: {  	_ =	shalt  }

</sc_bundles>
